<compile_context>
chip_gen: v7x
topology: tpu7x:2x2x1
jax: 0.10.2.dev20260603
libtpu: 0.0.44.dev20260713+nightly
codegen_flags: <defaults>
</compile_context>

<pallas_src>
import functools

import jax
import jax.numpy as jnp
from jax import lax
from jax.experimental import pallas as pl
from jax.experimental.pallas import tpu as pltpu
from jax.experimental.pallas import tpu_sc as plsc

BATCH = 4096
SEQ_LEN = 200
EMBED_DIM = 64
TOTAL = BATCH * SEQ_LEN

NUM_CORES = 2
NUM_SUBCORES = 16
NUM_WORKERS = NUM_CORES * NUM_SUBCORES
PER_WORKER = TOTAL // NUM_WORKERS

CHUNK = SEQ_LEN
NUM_CHUNKS = PER_WORKER // CHUNK
IDX_W = 100
IDX_ROWS = CHUNK // IDX_W
IDX_ALL = PER_WORKER // IDX_W
NBUF = 4


def kernel(inputs, pos_table, tok_table):
    idx2d = inputs.reshape(TOTAL // IDX_W, IDX_W).astype(jnp.int32)
    posidx = jnp.arange(CHUNK, dtype=jnp.int32).reshape(IDX_ROWS, IDX_W)

    mesh = plsc.VectorSubcoreMesh(core_axis_name="c", subcore_axis_name="s")

    @functools.partial(
        pl.kernel,
        out_type=jax.ShapeDtypeStruct((BATCH, SEQ_LEN, EMBED_DIM), jnp.float32),
        mesh=mesh,
        scratch_types=[
            pltpu.VMEM((IDX_ALL, IDX_W), jnp.int32),
            pltpu.VMEM((IDX_ROWS, IDX_W), jnp.int32),
            [pltpu.VMEM((CHUNK, EMBED_DIM), jnp.float32)
             for _ in range(NBUF)],
            pltpu.VMEM_SHARED((SEQ_LEN, EMBED_DIM), jnp.float32),
            [pltpu.SemaphoreType.DMA for _ in range(NBUF)],
            [pltpu.SemaphoreType.DMA for _ in range(NBUF)],
            [pltpu.SemaphoreType.DMA for _ in range(NBUF)],
        ],
        compiler_params=pltpu.CompilerParams(use_tc_tiling_on_sc=False),
    )
    def embed(idx_hbm, posidx_hbm, pos_hbm, tok_hbm, out_hbm,
              idx_v, posidx_v, rows, pos_sh, gsem, psem, ssem):
        wid = lax.axis_index("s") * NUM_CORES + lax.axis_index("c")
        seq_base = wid * NUM_CHUNKS
        idx_base = wid * IDX_ALL

        @pl.when(lax.axis_index("s") == 0)
        def _():
            pltpu.sync_copy(pos_hbm, rows[0])
            pltpu.sync_copy(rows[0], pos_sh)

        pltpu.sync_copy(posidx_hbm, posidx_v)
        pltpu.sync_copy(idx_hbm.at[pl.ds(idx_base, IDX_ALL)], idx_v)
        plsc.subcore_barrier()

        def start_g(c, b):
            for j in range(IDX_ROWS):
                pltpu.async_copy(tok_hbm.at[idx_v.at[c * IDX_ROWS + j]],
                                 rows[b].at[pl.ds(j * IDX_W, IDX_W)], gsem[b])

        def wait_g(b):
            for j in range(IDX_ROWS):
                pltpu.make_async_copy(tok_hbm.at[idx_v.at[j]],
                                      rows[b].at[pl.ds(j * IDX_W, IDX_W)],
                                      gsem[b]).wait()

        def start_p(b):
            for j in range(IDX_ROWS):
                pltpu.async_copy(pos_sh.at[posidx_v.at[j]],
                                 rows[b].at[pl.ds(j * IDX_W, IDX_W)], psem[b],
                                 add=True)

        def wait_p(b):
            for j in range(IDX_ROWS):
                pltpu.make_async_copy(pos_sh.at[posidx_v.at[j]],
                                      rows[b].at[pl.ds(j * IDX_W, IDX_W)],
                                      psem[b]).wait()

        def start_s(c, b):
            pltpu.async_copy(rows[b], out_hbm.at[seq_base + c], ssem[b])

        def wait_s(b):
            pltpu.make_async_copy(rows[b], out_hbm.at[seq_base],
                                  ssem[b]).wait()

        for c in range(3):
            start_g(c, c)
        wait_g(0)
        start_p(0)

        @pl.loop(0, NUM_CHUNKS, step=NBUF)
        def _(cc):
            for b in range(NBUF):
                c = cc + b
                b1 = (b + 1) % NBUF

                @pl.when(c + 1 < NUM_CHUNKS)
                def _():
                    wait_g(b1)
                    start_p(b1)

                wait_p(b)
                start_s(c, b)

                b3 = (b + 3) % NBUF

                @pl.when(c + 3 < NUM_CHUNKS)
                def _():
                    @pl.when(c >= 1)
                    def _():
                        wait_s(b3)

                    start_g(c + 3, b3)

        for b in range(NBUF):
            wait_s(b)

    return embed(idx2d, posidx, pos_table, tok_table)

# --- scband reference (transcript-rebuilt; emitter-appended) ---
"""Pipeline reference for scband-recipe-embedding-64295660421538 (READ-ONLY COPY).

The authoritative reference and input builder live on the scoring server;
editing this copy changes nothing except your own understanding.
"""

import jax, jax.numpy as jnp
import numpy as np

VOCAB = 100000
SEQ_LEN = 200
EMBED_DIM = 64
BATCH = 4096

def setup_inputs(seed: int = 0) -> dict:
    key = jax.random.key(seed)
    k1, k2, k3 = jax.random.split(key, 3)
    inputs = jax.random.randint(k1, (BATCH, SEQ_LEN), 0, VOCAB, dtype=jnp.int64 if jax.config.jax_enable_x64 else jnp.int32)
    pos_table = jax.random.normal(k2, (SEQ_LEN, EMBED_DIM), dtype=jnp.float32) * 0.05
    tok_table = jax.random.normal(k3, (VOCAB, EMBED_DIM), dtype=jnp.float32) * 0.05
    return {"inputs": inputs, "pos_table": pos_table, "tok_table": tok_table}

def reference(inputs, pos_table, tok_table):
    # RecipeEmbedding.call: token embedding lookup + positional embedding, added.
    seq_len = inputs.shape[1]
    positions = jnp.arange(seq_len)
    x_p = jnp.take(pos_table, positions, axis=0)          # [L, D]
    x_t = jnp.take(tok_table, inputs, axis=0)             # [B, L, D]
    out = x_t + x_p[None, :, :]                           # broadcast add
    return out

if __name__ == "__main__":
    import jax
    _d = setup_inputs()
    print(jax.jit(kernel)(*tuple(_d.values())))

</pallas_src>

<mosaic_0001>
#map = affine_map<(d0, d1) -> (0, 0)>
#map1 = affine_map<(d0, d1) -> (0, 0, 0)>
module attributes {stable_mosaic.version = 14 : i64} {
  func.func @embed(%arg0: i32, %arg1: i32, %arg2: memref<8192x100xi32, #tpu.memory_space<hbm>>, %arg3: memref<2x100xi32, #tpu.memory_space<hbm>>, %arg4: memref<200x64xf32, #tpu.memory_space<hbm>>, %arg5: memref<100000x64xf32, #tpu.memory_space<hbm>>, %arg6: memref<4096x200x64xf32, #tpu.memory_space<hbm>>, %arg7: memref<256x100xi32, #tpu.memory_space<vmem>>, %arg8: memref<2x100xi32, #tpu.memory_space<vmem>>, %arg9: memref<200x64xf32, #tpu.memory_space<vmem>>, %arg10: memref<200x64xf32, #tpu.memory_space<vmem>>, %arg11: memref<200x64xf32, #tpu.memory_space<vmem>>, %arg12: memref<200x64xf32, #tpu.memory_space<vmem>>, %arg13: memref<200x64xf32, #tpu.memory_space<vmem_shared>>, %arg14: memref<!tpu.dma_semaphore, #tpu.memory_space<semaphore_mem>>, %arg15: memref<!tpu.dma_semaphore, #tpu.memory_space<semaphore_mem>>, %arg16: memref<!tpu.dma_semaphore, #tpu.memory_space<semaphore_mem>>, %arg17: memref<!tpu.dma_semaphore, #tpu.memory_space<semaphore_mem>>, %arg18: memref<!tpu.dma_semaphore, #tpu.memory_space<semaphore_mem>>, %arg19: memref<!tpu.dma_semaphore, #tpu.memory_space<semaphore_mem>>, %arg20: memref<!tpu.dma_semaphore, #tpu.memory_space<semaphore_mem>>, %arg21: memref<!tpu.dma_semaphore, #tpu.memory_space<semaphore_mem>>, %arg22: memref<!tpu.dma_semaphore, #tpu.memory_space<semaphore_mem>>, %arg23: memref<!tpu.dma_semaphore, #tpu.memory_space<semaphore_mem>>, %arg24: memref<!tpu.dma_semaphore, #tpu.memory_space<semaphore_mem>>, %arg25: memref<!tpu.dma_semaphore, #tpu.memory_space<semaphore_mem>>) attributes {dimension_semantics = [#tpu.dimension_semantics<core_parallel>, #tpu.dimension_semantics<subcore_parallel>], iteration_bounds = array<i64: 2, 16>, scalar_prefetch = 0 : i64, scratch_operands = 19 : i64, tpu.core_type = #tpu.core_type<sc_vector_subcore>, window_params = [{transform_indices = #map}, {transform_indices = #map}, {transform_indices = #map}, {transform_indices = #map}, {transform_indices = #map1}]} {
    %mul3A = arith.constant 2 : i32
    %mul3A_0 = arith.muli %arg1, %mul3A : i32
    %add3A = arith.addi %mul3A_0, %arg0 : i32
    %mul3A_1 = arith.constant 128 : i32
    %mul3A_2 = arith.muli %add3A, %mul3A_1 : i32
    %mul3A_3 = arith.constant 256 : i32
    %mul3A_4 = arith.muli %add3A, %mul3A_3 : i32
    %eq3A = arith.constant 0 : i32
    %eq3A_5 = arith.cmpi eq, %arg1, %eq3A : i32
    %convert_element_type3A = arith.extui %eq3A_5 : i1 to i32
    %cond3A = arith.constant 0 : i32
    %cond3A_6 = arith.cmpi ne, %convert_element_type3A, %cond3A : i32
    scf.if %cond3A_6 {
      "tpu.region"() ({
        %run_scoped3A = tpu.sem_alloc : memref<!tpu.dma_semaphore, #tpu.memory_space<semaphore_mem>>
        tpu.enqueue_dma source(%arg4 : memref<200x64xf32, #tpu.memory_space<hbm>>) target(%arg9 : memref<200x64xf32, #tpu.memory_space<vmem>>) target_semaphore(%run_scoped3A : memref<!tpu.dma_semaphore, #tpu.memory_space<semaphore_mem>>)
        tpu.wait_dma2 semaphore(%run_scoped3A : memref<!tpu.dma_semaphore, #tpu.memory_space<semaphore_mem>>) src(%arg4 : memref<200x64xf32, #tpu.memory_space<hbm>>) dst(%arg9 : memref<200x64xf32, #tpu.memory_space<vmem>>)
        tpu.yield
      }) : () -> ()
      "tpu.region"() ({
        %run_scoped3A = tpu.sem_alloc : memref<!tpu.dma_semaphore, #tpu.memory_space<semaphore_mem>>
        tpu.enqueue_dma source(%arg9 : memref<200x64xf32, #tpu.memory_space<vmem>>) target(%arg13 : memref<200x64xf32, #tpu.memory_space<vmem_shared>>) target_semaphore(%run_scoped3A : memref<!tpu.dma_semaphore, #tpu.memory_space<semaphore_mem>>)
        tpu.wait_dma2 semaphore(%run_scoped3A : memref<!tpu.dma_semaphore, #tpu.memory_space<semaphore_mem>>) src(%arg9 : memref<200x64xf32, #tpu.memory_space<vmem>>) dst(%arg13 : memref<200x64xf32, #tpu.memory_space<vmem_shared>>)
        tpu.yield
      }) : () -> ()
    } else {
    }
    "tpu.region"() ({
      %run_scoped3A = tpu.sem_alloc : memref<!tpu.dma_semaphore, #tpu.memory_space<semaphore_mem>>
      tpu.enqueue_dma source(%arg3 : memref<2x100xi32, #tpu.memory_space<hbm>>) target(%arg8 : memref<2x100xi32, #tpu.memory_space<vmem>>) target_semaphore(%run_scoped3A : memref<!tpu.dma_semaphore, #tpu.memory_space<semaphore_mem>>)
      tpu.wait_dma2 semaphore(%run_scoped3A : memref<!tpu.dma_semaphore, #tpu.memory_space<semaphore_mem>>) src(%arg3 : memref<2x100xi32, #tpu.memory_space<hbm>>) dst(%arg8 : memref<2x100xi32, #tpu.memory_space<vmem>>)
      tpu.yield
    }) : () -> ()
    "tpu.region"() ({
      %run_scoped3A = tpu.sem_alloc : memref<!tpu.dma_semaphore, #tpu.memory_space<semaphore_mem>>
      %dma_start3A_141 = arith.constant 0 : i32
      %dma_start3A_142 = tpu.memref_slice %arg2[%mul3A_4, %dma_start3A_141] : memref<8192x100xi32, #tpu.memory_space<hbm>> -> memref<256x100xi32, #tpu.memory_space<hbm>>
      %dma_start3A_143 = arith.constant 0 : i32
      %dma_start3A_144 = tpu.memref_slice %arg2[%mul3A_4, %dma_start3A_143] : memref<8192x100xi32, #tpu.memory_space<hbm>> -> memref<256x100xi32, #tpu.memory_space<hbm>>
      tpu.enqueue_dma source(%dma_start3A_144 : memref<256x100xi32, #tpu.memory_space<hbm>>) target(%arg7 : memref<256x100xi32, #tpu.memory_space<vmem>>) target_semaphore(%run_scoped3A : memref<!tpu.dma_semaphore, #tpu.memory_space<semaphore_mem>>)
      %dma_wait3A_145 = arith.constant 0 : i32
      %dma_wait3A_146 = tpu.memref_slice %arg2[%mul3A_4, %dma_wait3A_145] : memref<8192x100xi32, #tpu.memory_space<hbm>> -> memref<256x100xi32, #tpu.memory_space<hbm>>
      %dma_wait3A_147 = arith.constant 0 : i32
      %dma_wait3A_148 = tpu.memref_slice %arg2[%mul3A_4, %dma_wait3A_147] : memref<8192x100xi32, #tpu.memory_space<hbm>> -> memref<256x100xi32, #tpu.memory_space<hbm>>
      tpu.wait_dma2 semaphore(%run_scoped3A : memref<!tpu.dma_semaphore, #tpu.memory_space<semaphore_mem>>) src(%dma_wait3A_148 : memref<256x100xi32, #tpu.memory_space<hbm>>) dst(%arg7 : memref<256x100xi32, #tpu.memory_space<vmem>>)
      tpu.yield
    }) : () -> ()
    %barrier3A = arith.constant 0 : index
    tpu.barrier barrier_id(%barrier3A)
    %dma_start3A = arith.constant 0 : i32
    %dma_start3A_7 = arith.constant 0 : i32
    %dma_start3A_8 = arith.constant 0 : i32
    %dma_start3A_9 = tpu.memref_slice %arg9[%dma_start3A_7, %dma_start3A_8] : memref<200x64xf32, #tpu.memory_space<vmem>> -> memref<100x64xf32, #tpu.memory_space<vmem>>
    %dma_start3A_10 = arith.constant 0 : i32
    %dma_start3A_11 = tpu.memref_slice %arg7[%dma_start3A, %dma_start3A_10] : memref<256x100xi32, #tpu.memory_space<vmem>> -> memref<1x100xi32, #tpu.memory_space<vmem>>
    %dma_start3A_12 = tpu.memref_squeeze %dma_start3A_11 : memref<1x100xi32, #tpu.memory_space<vmem>> -> memref<100xi32, #tpu.memory_space<vmem>>
    %dma_start3A_13 = arith.constant 0 : i32
    %dma_start3A_14 = arith.constant 0 : i32
    %dma_start3A_15 = tpu.memref_slice %arg5[%dma_start3A_13, %dma_start3A_14] : memref<100000x64xf32, #tpu.memory_space<hbm>> -> memref<100000x64xf32, #tpu.memory_space<hbm>>
    tpu.enqueue_indirect_dma source(%dma_start3A_15 : memref<100000x64xf32, #tpu.memory_space<hbm>>) target(%dma_start3A_9 : memref<100x64xf32, #tpu.memory_space<vmem>>) offsets(%dma_start3A_12 : memref<100xi32, #tpu.memory_space<vmem>>) semaphore(%arg14 : memref<!tpu.dma_semaphore, #tpu.memory_space<semaphore_mem>>)
    %dma_start3A_16 = arith.constant 1 : i32
    %dma_start3A_17 = arith.constant 100 : i32
    %dma_start3A_18 = arith.constant 0 : i32
    %dma_start3A_19 = tpu.memref_slice %arg9[%dma_start3A_17, %dma_start3A_18] : memref<200x64xf32, #tpu.memory_space<vmem>> -> memref<100x64xf32, #tpu.memory_space<vmem>>
    %dma_start3A_20 = arith.constant 0 : i32
    %dma_start3A_21 = tpu.memref_slice %arg7[%dma_start3A_16, %dma_start3A_20] : memref<256x100xi32, #tpu.memory_space<vmem>> -> memref<1x100xi32, #tpu.memory_space<vmem>>
    %dma_start3A_22 = tpu.memref_squeeze %dma_start3A_21 : memref<1x100xi32, #tpu.memory_space<vmem>> -> memref<100xi32, #tpu.memory_space<vmem>>
    %dma_start3A_23 = arith.constant 0 : i32
    %dma_start3A_24 = arith.constant 0 : i32
    %dma_start3A_25 = tpu.memref_slice %arg5[%dma_start3A_23, %dma_start3A_24] : memref<100000x64xf32, #tpu.memory_space<hbm>> -> memref<100000x64xf32, #tpu.memory_space<hbm>>
    tpu.enqueue_indirect_dma source(%dma_start3A_25 : memref<100000x64xf32, #tpu.memory_space<hbm>>) target(%dma_start3A_19 : memref<100x64xf32, #tpu.memory_space<vmem>>) offsets(%dma_start3A_22 : memref<100xi32, #tpu.memory_space<vmem>>) semaphore(%arg14 : memref<!tpu.dma_semaphore, #tpu.memory_space<semaphore_mem>>)
    %dma_start3A_26 = arith.constant 2 : i32
    %dma_start3A_27 = arith.constant 0 : i32
    %dma_start3A_28 = arith.constant 0 : i32
    %dma_start3A_29 = tpu.memref_slice %arg10[%dma_start3A_27, %dma_start3A_28] : memref<200x64xf32, #tpu.memory_space<vmem>> -> memref<100x64xf32, #tpu.memory_space<vmem>>
    %dma_start3A_30 = arith.constant 0 : i32
    %dma_start3A_31 = tpu.memref_slice %arg7[%dma_start3A_26, %dma_start3A_30] : memref<256x100xi32, #tpu.memory_space<vmem>> -> memref<1x100xi32, #tpu.memory_space<vmem>>
    %dma_start3A_32 = tpu.memref_squeeze %dma_start3A_31 : memref<1x100xi32, #tpu.memory_space<vmem>> -> memref<100xi32, #tpu.memory_space<vmem>>
    %dma_start3A_33 = arith.constant 0 : i32
    %dma_start3A_34 = arith.constant 0 : i32
    %dma_start3A_35 = tpu.memref_slice %arg5[%dma_start3A_33, %dma_start3A_34] : memref<100000x64xf32, #tpu.memory_space<hbm>> -> memref<100000x64xf32, #tpu.memory_space<hbm>>
    tpu.enqueue_indirect_dma source(%dma_start3A_35 : memref<100000x64xf32, #tpu.memory_space<hbm>>) target(%dma_start3A_29 : memref<100x64xf32, #tpu.memory_space<vmem>>) offsets(%dma_start3A_32 : memref<100xi32, #tpu.memory_space<vmem>>) semaphore(%arg15 : memref<!tpu.dma_semaphore, #tpu.memory_space<semaphore_mem>>)
    %dma_start3A_36 = arith.constant 3 : i32
    %dma_start3A_37 = arith.constant 100 : i32
    %dma_start3A_38 = arith.constant 0 : i32
    %dma_start3A_39 = tpu.memref_slice %arg10[%dma_start3A_37, %dma_start3A_38] : memref<200x64xf32, #tpu.memory_space<vmem>> -> memref<100x64xf32, #tpu.memory_space<vmem>>
    %dma_start3A_40 = arith.constant 0 : i32
    %dma_start3A_41 = tpu.memref_slice %arg7[%dma_start3A_36, %dma_start3A_40] : memref<256x100xi32, #tpu.memory_space<vmem>> -> memref<1x100xi32, #tpu.memory_space<vmem>>
    %dma_start3A_42 = tpu.memref_squeeze %dma_start3A_41 : memref<1x100xi32, #tpu.memory_space<vmem>> -> memref<100xi32, #tpu.memory_space<vmem>>
    %dma_start3A_43 = arith.constant 0 : i32
    %dma_start3A_44 = arith.constant 0 : i32
    %dma_start3A_45 = tpu.memref_slice %arg5[%dma_start3A_43, %dma_start3A_44] : memref<100000x64xf32, #tpu.memory_space<hbm>> -> memref<100000x64xf32, #tpu.memory_space<hbm>>
    tpu.enqueue_indirect_dma source(%dma_start3A_45 : memref<100000x64xf32, #tpu.memory_space<hbm>>) target(%dma_start3A_39 : memref<100x64xf32, #tpu.memory_space<vmem>>) offsets(%dma_start3A_42 : memref<100xi32, #tpu.memory_space<vmem>>) semaphore(%arg15 : memref<!tpu.dma_semaphore, #tpu.memory_space<semaphore_mem>>)
    %dma_start3A_46 = arith.constant 4 : i32
    %dma_start3A_47 = arith.constant 0 : i32
    %dma_start3A_48 = arith.constant 0 : i32
    %dma_start3A_49 = tpu.memref_slice %arg11[%dma_start3A_47, %dma_start3A_48] : memref<200x64xf32, #tpu.memory_space<vmem>> -> memref<100x64xf32, #tpu.memory_space<vmem>>
    %dma_start3A_50 = arith.constant 0 : i32
    %dma_start3A_51 = tpu.memref_slice %arg7[%dma_start3A_46, %dma_start3A_50] : memref<256x100xi32, #tpu.memory_space<vmem>> -> memref<1x100xi32, #tpu.memory_space<vmem>>
    %dma_start3A_52 = tpu.memref_squeeze %dma_start3A_51 : memref<1x100xi32, #tpu.memory_space<vmem>> -> memref<100xi32, #tpu.memory_space<vmem>>
    %dma_start3A_53 = arith.constant 0 : i32
    %dma_start3A_54 = arith.constant 0 : i32
    %dma_start3A_55 = tpu.memref_slice %arg5[%dma_start3A_53, %dma_start3A_54] : memref<100000x64xf32, #tpu.memory_space<hbm>> -> memref<100000x64xf32, #tpu.memory_space<hbm>>
    tpu.enqueue_indirect_dma source(%dma_start3A_55 : memref<100000x64xf32, #tpu.memory_space<hbm>>) target(%dma_start3A_49 : memref<100x64xf32, #tpu.memory_space<vmem>>) offsets(%dma_start3A_52 : memref<100xi32, #tpu.memory_space<vmem>>) semaphore(%arg16 : memref<!tpu.dma_semaphore, #tpu.memory_space<semaphore_mem>>)
    %dma_start3A_56 = arith.constant 5 : i32
    %dma_start3A_57 = arith.constant 100 : i32
    %dma_start3A_58 = arith.constant 0 : i32
    %dma_start3A_59 = tpu.memref_slice %arg11[%dma_start3A_57, %dma_start3A_58] : memref<200x64xf32, #tpu.memory_space<vmem>> -> memref<100x64xf32, #tpu.memory_space<vmem>>
    %dma_start3A_60 = arith.constant 0 : i32
    %dma_start3A_61 = tpu.memref_slice %arg7[%dma_start3A_56, %dma_start3A_60] : memref<256x100xi32, #tpu.memory_space<vmem>> -> memref<1x100xi32, #tpu.memory_space<vmem>>
    %dma_start3A_62 = tpu.memref_squeeze %dma_start3A_61 : memref<1x100xi32, #tpu.memory_space<vmem>> -> memref<100xi32, #tpu.memory_space<vmem>>
    %dma_start3A_63 = arith.constant 0 : i32
    %dma_start3A_64 = arith.constant 0 : i32
    %dma_start3A_65 = tpu.memref_slice %arg5[%dma_start3A_63, %dma_start3A_64] : memref<100000x64xf32, #tpu.memory_space<hbm>> -> memref<100000x64xf32, #tpu.memory_space<hbm>>
    tpu.enqueue_indirect_dma source(%dma_start3A_65 : memref<100000x64xf32, #tpu.memory_space<hbm>>) target(%dma_start3A_59 : memref<100x64xf32, #tpu.memory_space<vmem>>) offsets(%dma_start3A_62 : memref<100xi32, #tpu.memory_space<vmem>>) semaphore(%arg16 : memref<!tpu.dma_semaphore, #tpu.memory_space<semaphore_mem>>)
    %dma_wait3A = arith.constant 0 : i32
    %dma_wait3A_66 = arith.constant 0 : i32
    %dma_wait3A_67 = arith.constant 0 : i32
    %dma_wait3A_68 = tpu.memref_slice %arg9[%dma_wait3A_66, %dma_wait3A_67] : memref<200x64xf32, #tpu.memory_space<vmem>> -> memref<100x64xf32, #tpu.memory_space<vmem>>
    %dma_wait3A_69 = arith.constant 0 : i32
    %dma_wait3A_70 = tpu.memref_slice %arg7[%dma_wait3A, %dma_wait3A_69] : memref<256x100xi32, #tpu.memory_space<vmem>> -> memref<1x100xi32, #tpu.memory_space<vmem>>
    %dma_wait3A_71 = tpu.memref_squeeze %dma_wait3A_70 : memref<1x100xi32, #tpu.memory_space<vmem>> -> memref<100xi32, #tpu.memory_space<vmem>>
    %dma_wait3A_72 = arith.constant 0 : i32
    %dma_wait3A_73 = arith.constant 0 : i32
    %dma_wait3A_74 = tpu.memref_slice %arg5[%dma_wait3A_72, %dma_wait3A_73] : memref<100000x64xf32, #tpu.memory_space<hbm>> -> memref<100000x64xf32, #tpu.memory_space<hbm>>
    tpu.wait_indirect_dma semaphore(%arg14 : memref<!tpu.dma_semaphore, #tpu.memory_space<semaphore_mem>>) src(%dma_wait3A_74 : memref<100000x64xf32, #tpu.memory_space<hbm>>) dst(%dma_wait3A_68 : memref<100x64xf32, #tpu.memory_space<vmem>>)
    %dma_wait3A_75 = arith.constant 1 : i32
    %dma_wait3A_76 = arith.constant 100 : i32
    %dma_wait3A_77 = arith.constant 0 : i32
    %dma_wait3A_78 = tpu.memref_slice %arg9[%dma_wait3A_76, %dma_wait3A_77] : memref<200x64xf32, #tpu.memory_space<vmem>> -> memref<100x64xf32, #tpu.memory_space<vmem>>
    %dma_wait3A_79 = arith.constant 0 : i32
    %dma_wait3A_80 = tpu.memref_slice %arg7[%dma_wait3A_75, %dma_wait3A_79] : memref<256x100xi32, #tpu.memory_space<vmem>> -> memref<1x100xi32, #tpu.memory_space<vmem>>
    %dma_wait3A_81 = tpu.memref_squeeze %dma_wait3A_80 : memref<1x100xi32, #tpu.memory_space<vmem>> -> memref<100xi32, #tpu.memory_space<vmem>>
    %dma_wait3A_82 = arith.constant 0 : i32
    %dma_wait3A_83 = arith.constant 0 : i32
    %dma_wait3A_84 = tpu.memref_slice %arg5[%dma_wait3A_82, %dma_wait3A_83] : memref<100000x64xf32, #tpu.memory_space<hbm>> -> memref<100000x64xf32, #tpu.memory_space<hbm>>
    tpu.wait_indirect_dma semaphore(%arg14 : memref<!tpu.dma_semaphore, #tpu.memory_space<semaphore_mem>>) src(%dma_wait3A_84 : memref<100000x64xf32, #tpu.memory_space<hbm>>) dst(%dma_wait3A_78 : memref<100x64xf32, #tpu.memory_space<vmem>>)
    %dma_start3A_85 = arith.constant 0 : i32
    %dma_start3A_86 = arith.constant 0 : i32
    %dma_start3A_87 = arith.constant 0 : i32
    %dma_start3A_88 = tpu.memref_slice %arg9[%dma_start3A_86, %dma_start3A_87] : memref<200x64xf32, #tpu.memory_space<vmem>> -> memref<100x64xf32, #tpu.memory_space<vmem>>
    %dma_start3A_89 = arith.constant 0 : i32
    %dma_start3A_90 = tpu.memref_slice %arg8[%dma_start3A_85, %dma_start3A_89] : memref<2x100xi32, #tpu.memory_space<vmem>> -> memref<1x100xi32, #tpu.memory_space<vmem>>
    %dma_start3A_91 = tpu.memref_squeeze %dma_start3A_90 : memref<1x100xi32, #tpu.memory_space<vmem>> -> memref<100xi32, #tpu.memory_space<vmem>>
    %dma_start3A_92 = arith.constant 0 : i32
    %dma_start3A_93 = arith.constant 0 : i32
    %dma_start3A_94 = tpu.memref_slice %arg13[%dma_start3A_92, %dma_start3A_93] : memref<200x64xf32, #tpu.memory_space<vmem_shared>> -> memref<200x64xf32, #tpu.memory_space<vmem_shared>>
    tpu.enqueue_indirect_dma source(%dma_start3A_94 : memref<200x64xf32, #tpu.memory_space<vmem_shared>>) target(%dma_start3A_88 : memref<100x64xf32, #tpu.memory_space<vmem>>) offsets(%dma_start3A_91 : memref<100xi32, #tpu.memory_space<vmem>>) semaphore(%arg18 : memref<!tpu.dma_semaphore, #tpu.memory_space<semaphore_mem>>) {add = true}
    %dma_start3A_95 = arith.constant 1 : i32
    %dma_start3A_96 = arith.constant 100 : i32
    %dma_start3A_97 = arith.constant 0 : i32
    %dma_start3A_98 = tpu.memref_slice %arg9[%dma_start3A_96, %dma_start3A_97] : memref<200x64xf32, #tpu.memory_space<vmem>> -> memref<100x64xf32, #tpu.memory_space<vmem>>
    %dma_start3A_99 = arith.constant 0 : i32
    %dma_start3A_100 = tpu.memref_slice %arg8[%dma_start3A_95, %dma_start3A_99] : memref<2x100xi32, #tpu.memory_space<vmem>> -> memref<1x100xi32, #tpu.memory_space<vmem>>
    %dma_start3A_101 = tpu.memref_squeeze %dma_start3A_100 : memref<1x100xi32, #tpu.memory_space<vmem>> -> memref<100xi32, #tpu.memory_space<vmem>>
    %dma_start3A_102 = arith.constant 0 : i32
    %dma_start3A_103 = arith.constant 0 : i32
    %dma_start3A_104 = tpu.memref_slice %arg13[%dma_start3A_102, %dma_start3A_103] : memref<200x64xf32, #tpu.memory_space<vmem_shared>> -> memref<200x64xf32, #tpu.memory_space<vmem_shared>>
    tpu.enqueue_indirect_dma source(%dma_start3A_104 : memref<200x64xf32, #tpu.memory_space<vmem_shared>>) target(%dma_start3A_98 : memref<100x64xf32, #tpu.memory_space<vmem>>) offsets(%dma_start3A_101 : memref<100xi32, #tpu.memory_space<vmem>>) semaphore(%arg18 : memref<!tpu.dma_semaphore, #tpu.memory_space<semaphore_mem>>) {add = true}
    %scan3A = arith.constant 0 : i32
    %scan3A_105 = arith.constant 32 : i32
    %scan3A_106 = arith.addi %scan3A, %scan3A_105 : i32
    %scan3A_107 = arith.constant 1 : i32
    scf.for %scan3A_141 = %scan3A to %scan3A_106 step %scan3A_107  : i32 {
      %mul3A_142 = arith.constant 4 : i32
      %mul3A_143 = arith.muli %scan3A_141, %mul3A_142 : i32
      %add3A_144 = arith.constant 0 : i32
      %add3A_145 = arith.addi %add3A_144, %mul3A_143 : i32
      %add3A_146 = arith.constant 0 : i32
      %add3A_147 = arith.addi %add3A_145, %add3A_146 : i32
      %add3A_148 = arith.constant 1 : i32
      %add3A_149 = arith.addi %add3A_147, %add3A_148 : i32
      %lt3A = arith.constant 128 : i32
      %lt3A_150 = arith.cmpi slt, %add3A_149, %lt3A : i32
      %convert_element_type3A_151 = arith.extui %lt3A_150 : i1 to i32
      %cond3A_152 = arith.constant 0 : i32
      %cond3A_153 = arith.cmpi ne, %convert_element_type3A_151, %cond3A_152 : i32
      scf.if %cond3A_153 {
        %dma_wait3A_325 = arith.constant 0 : i32
        %dma_wait3A_326 = arith.constant 0 : i32
        %dma_wait3A_327 = arith.constant 0 : i32
        %dma_wait3A_328 = tpu.memref_slice %arg10[%dma_wait3A_326, %dma_wait3A_327] : memref<200x64xf32, #tpu.memory_space<vmem>> -> memref<100x64xf32, #tpu.memory_space<vmem>>
        %dma_wait3A_329 = arith.constant 0 : i32
        %dma_wait3A_330 = tpu.memref_slice %arg7[%dma_wait3A_325, %dma_wait3A_329] : memref<256x100xi32, #tpu.memory_space<vmem>> -> memref<1x100xi32, #tpu.memory_space<vmem>>
        %dma_wait3A_331 = tpu.memref_squeeze %dma_wait3A_330 : memref<1x100xi32, #tpu.memory_space<vmem>> -> memref<100xi32, #tpu.memory_space<vmem>>
        %dma_wait3A_332 = arith.constant 0 : i32
        %dma_wait3A_333 = arith.constant 0 : i32
        %dma_wait3A_334 = tpu.memref_slice %arg5[%dma_wait3A_332, %dma_wait3A_333] : memref<100000x64xf32, #tpu.memory_space<hbm>> -> memref<100000x64xf32, #tpu.memory_space<hbm>>
        tpu.wait_indirect_dma semaphore(%arg15 : memref<!tpu.dma_semaphore, #tpu.memory_space<semaphore_mem>>) src(%dma_wait3A_334 : memref<100000x64xf32, #tpu.memory_space<hbm>>) dst(%dma_wait3A_328 : memref<100x64xf32, #tpu.memory_space<vmem>>)
        %dma_wait3A_335 = arith.constant 1 : i32
        %dma_wait3A_336 = arith.constant 100 : i32
        %dma_wait3A_337 = arith.constant 0 : i32
        %dma_wait3A_338 = tpu.memref_slice %arg10[%dma_wait3A_336, %dma_wait3A_337] : memref<200x64xf32, #tpu.memory_space<vmem>> -> memref<100x64xf32, #tpu.memory_space<vmem>>
        %dma_wait3A_339 = arith.constant 0 : i32
        %dma_wait3A_340 = tpu.memref_slice %arg7[%dma_wait3A_335, %dma_wait3A_339] : memref<256x100xi32, #tpu.memory_space<vmem>> -> memref<1x100xi32, #tpu.memory_space<vmem>>
        %dma_wait3A_341 = tpu.memref_squeeze %dma_wait3A_340 : memref<1x100xi32, #tpu.memory_space<vmem>> -> memref<100xi32, #tpu.memory_space<vmem>>
        %dma_wait3A_342 = arith.constant 0 : i32
        %dma_wait3A_343 = arith.constant 0 : i32
        %dma_wait3A_344 = tpu.memref_slice %arg5[%dma_wait3A_342, %dma_wait3A_343] : memref<100000x64xf32, #tpu.memory_space<hbm>> -> memref<100000x64xf32, #tpu.memory_space<hbm>>
        tpu.wait_indirect_dma semaphore(%arg15 : memref<!tpu.dma_semaphore, #tpu.memory_space<semaphore_mem>>) src(%dma_wait3A_344 : memref<100000x64xf32, #tpu.memory_space<hbm>>) dst(%dma_wait3A_338 : memref<100x64xf32, #tpu.memory_space<vmem>>)
        %dma_start3A_345 = arith.constant 0 : i32
        %dma_start3A_346 = arith.constant 0 : i32
        %dma_start3A_347 = arith.constant 0 : i32
        %dma_start3A_348 = tpu.memref_slice %arg10[%dma_start3A_346, %dma_start3A_347] : memref<200x64xf32, #tpu.memory_space<vmem>> -> memref<100x64xf32, #tpu.memory_space<vmem>>
        %dma_start3A_349 = arith.constant 0 : i32
        %dma_start3A_350 = tpu.memref_slice %arg8[%dma_start3A_345, %dma_start3A_349] : memref<2x100xi32, #tpu.memory_space<vmem>> -> memref<1x100xi32, #tpu.memory_space<vmem>>
        %dma_start3A_351 = tpu.memref_squeeze %dma_start3A_350 : memref<1x100xi32, #tpu.memory_space<vmem>> -> memref<100xi32, #tpu.memory_space<vmem>>
        %dma_start3A_352 = arith.constant 0 : i32
        %dma_start3A_353 = arith.constant 0 : i32
        %dma_start3A_354 = tpu.memref_slice %arg13[%dma_start3A_352, %dma_start3A_353] : memref<200x64xf32, #tpu.memory_space<vmem_shared>> -> memref<200x64xf32, #tpu.memory_space<vmem_shared>>
        tpu.enqueue_indirect_dma source(%dma_start3A_354 : memref<200x64xf32, #tpu.memory_space<vmem_shared>>) target(%dma_start3A_348 : memref<100x64xf32, #tpu.memory_space<vmem>>) offsets(%dma_start3A_351 : memref<100xi32, #tpu.memory_space<vmem>>) semaphore(%arg19 : memref<!tpu.dma_semaphore, #tpu.memory_space<semaphore_mem>>) {add = true}
        %dma_start3A_355 = arith.constant 1 : i32
        %dma_start3A_356 = arith.constant 100 : i32
        %dma_start3A_357 = arith.constant 0 : i32
        %dma_start3A_358 = tpu.memref_slice %arg10[%dma_start3A_356, %dma_start3A_357] : memref<200x64xf32, #tpu.memory_space<vmem>> -> memref<100x64xf32, #tpu.memory_space<vmem>>
        %dma_start3A_359 = arith.constant 0 : i32
        %dma_start3A_360 = tpu.memref_slice %arg8[%dma_start3A_355, %dma_start3A_359] : memref<2x100xi32, #tpu.memory_space<vmem>> -> memref<1x100xi32, #tpu.memory_space<vmem>>
        %dma_start3A_361 = tpu.memref_squeeze %dma_start3A_360 : memref<1x100xi32, #tpu.memory_space<vmem>> -> memref<100xi32, #tpu.memory_space<vmem>>
        %dma_start3A_362 = arith.constant 0 : i32
        %dma_start3A_363 = arith.constant 0 : i32
        %dma_start3A_364 = tpu.memref_slice %arg13[%dma_start3A_362, %dma_start3A_363] : memref<200x64xf32, #tpu.memory_space<vmem_shared>> -> memref<200x64xf32, #tpu.memory_space<vmem_shared>>
        tpu.enqueue_indirect_dma source(%dma_start3A_364 : memref<200x64xf32, #tpu.memory_space<vmem_shared>>) target(%dma_start3A_358 : memref<100x64xf32, #tpu.memory_space<vmem>>) offsets(%dma_start3A_361 : memref<100xi32, #tpu.memory_space<vmem>>) semaphore(%arg19 : memref<!tpu.dma_semaphore, #tpu.memory_space<semaphore_mem>>) {add = true}
      } else {
      }
      %dma_wait3A_154 = arith.constant 0 : i32
      %dma_wait3A_155 = arith.constant 0 : i32
      %dma_wait3A_156 = arith.constant 0 : i32
      %dma_wait3A_157 = tpu.memref_slice %arg9[%dma_wait3A_155, %dma_wait3A_156] : memref<200x64xf32, #tpu.memory_space<vmem>> -> memref<100x64xf32, #tpu.memory_space<vmem>>
      %dma_wait3A_158 = arith.constant 0 : i32
      %dma_wait3A_159 = tpu.memref_slice %arg8[%dma_wait3A_154, %dma_wait3A_158] : memref<2x100xi32, #tpu.memory_space<vmem>> -> memref<1x100xi32, #tpu.memory_space<vmem>>
      %dma_wait3A_160 = tpu.memref_squeeze %dma_wait3A_159 : memref<1x100xi32, #tpu.memory_space<vmem>> -> memref<100xi32, #tpu.memory_space<vmem>>
      %dma_wait3A_161 = arith.constant 0 : i32
      %dma_wait3A_162 = arith.constant 0 : i32
      %dma_wait3A_163 = tpu.memref_slice %arg13[%dma_wait3A_161, %dma_wait3A_162] : memref<200x64xf32, #tpu.memory_space<vmem_shared>> -> memref<200x64xf32, #tpu.memory_space<vmem_shared>>
      tpu.wait_indirect_dma semaphore(%arg18 : memref<!tpu.dma_semaphore, #tpu.memory_space<semaphore_mem>>) src(%dma_wait3A_163 : memref<200x64xf32, #tpu.memory_space<vmem_shared>>) dst(%dma_wait3A_157 : memref<100x64xf32, #tpu.memory_space<vmem>>)
      %dma_wait3A_164 = arith.constant 1 : i32
      %dma_wait3A_165 = arith.constant 100 : i32
      %dma_wait3A_166 = arith.constant 0 : i32
      %dma_wait3A_167 = tpu.memref_slice %arg9[%dma_wait3A_165, %dma_wait3A_166] : memref<200x64xf32, #tpu.memory_space<vmem>> -> memref<100x64xf32, #tpu.memory_space<vmem>>
      %dma_wait3A_168 = arith.constant 0 : i32
      %dma_wait3A_169 = tpu.memref_slice %arg8[%dma_wait3A_164, %dma_wait3A_168] : memref<2x100xi32, #tpu.memory_space<vmem>> -> memref<1x100xi32, #tpu.memory_space<vmem>>
      %dma_wait3A_170 = tpu.memref_squeeze %dma_wait3A_169 : memref<1x100xi32, #tpu.memory_space<vmem>> -> memref<100xi32, #tpu.memory_space<vmem>>
      %dma_wait3A_171 = arith.constant 0 : i32
      %dma_wait3A_172 = arith.constant 0 : i32
      %dma_wait3A_173 = tpu.memref_slice %arg13[%dma_wait3A_171, %dma_wait3A_172] : memref<200x64xf32, #tpu.memory_space<vmem_shared>> -> memref<200x64xf32, #tpu.memory_space<vmem_shared>>
      tpu.wait_indirect_dma semaphore(%arg18 : memref<!tpu.dma_semaphore, #tpu.memory_space<semaphore_mem>>) src(%dma_wait3A_173 : memref<200x64xf32, #tpu.memory_space<vmem_shared>>) dst(%dma_wait3A_167 : memref<100x64xf32, #tpu.memory_space<vmem>>)
      %add3A_174 = arith.addi %mul3A_2, %add3A_147 : i32
      %dma_start3A_175 = arith.constant 0 : i32
      %dma_start3A_176 = arith.constant 0 : i32
      %dma_start3A_177 = tpu.memref_slice %arg6[%add3A_174, %dma_start3A_175, %dma_start3A_176] : memref<4096x200x64xf32, #tpu.memory_space<hbm>> -> memref<1x200x64xf32, #tpu.memory_space<hbm>>
      %dma_start3A_178 = tpu.memref_squeeze %dma_start3A_177 : memref<1x200x64xf32, #tpu.memory_space<hbm>> -> memref<200x64xf32, #tpu.memory_space<hbm>>
      %dma_start3A_179 = arith.constant 0 : i32
      %dma_start3A_180 = arith.constant 0 : i32
      %dma_start3A_181 = tpu.memref_slice %arg6[%add3A_174, %dma_start3A_179, %dma_start3A_180] : memref<4096x200x64xf32, #tpu.memory_space<hbm>> -> memref<1x200x64xf32, #tpu.memory_space<hbm>>
      %dma_start3A_182 = tpu.memref_squeeze %dma_start3A_181 : memref<1x200x64xf32, #tpu.memory_space<hbm>> -> memref<200x64xf32, #tpu.memory_space<hbm>>
      tpu.enqueue_dma source(%arg9 : memref<200x64xf32, #tpu.memory_space<vmem>>) target(%dma_start3A_182 : memref<200x64xf32, #tpu.memory_space<hbm>>) target_semaphore(%arg22 : memref<!tpu.dma_semaphore, #tpu.memory_space<semaphore_mem>>)
      %add3A_183 = arith.constant 3 : i32
      %add3A_184 = arith.addi %add3A_147, %add3A_183 : i32
      %lt3A_185 = arith.constant 128 : i32
      %lt3A_186 = arith.cmpi slt, %add3A_184, %lt3A_185 : i32
      %convert_element_type3A_187 = arith.extui %lt3A_186 : i1 to i32
      %cond3A_188 = arith.constant 0 : i32
      %cond3A_189 = arith.cmpi ne, %convert_element_type3A_187, %cond3A_188 : i32
      scf.if %cond3A_189 {
        %ge3A = arith.constant 1 : i32
        %ge3A_325 = arith.cmpi sge, %add3A_147, %ge3A : i32
        %convert_element_type3A_326 = arith.extui %ge3A_325 : i1 to i32
        %cond3A_327 = arith.constant 0 : i32
        %cond3A_328 = arith.cmpi ne, %convert_element_type3A_326, %cond3A_327 : i32
        scf.if %cond3A_328 {
          %dma_wait3A_357 = arith.constant 0 : i32
          %dma_wait3A_358 = arith.constant 0 : i32
          %dma_wait3A_359 = tpu.memref_slice %arg6[%mul3A_2, %dma_wait3A_357, %dma_wait3A_358] : memref<4096x200x64xf32, #tpu.memory_space<hbm>> -> memref<1x200x64xf32, #tpu.memory_space<hbm>>
          %dma_wait3A_360 = tpu.memref_squeeze %dma_wait3A_359 : memref<1x200x64xf32, #tpu.memory_space<hbm>> -> memref<200x64xf32, #tpu.memory_space<hbm>>
          %dma_wait3A_361 = arith.constant 0 : i32
          %dma_wait3A_362 = arith.constant 0 : i32
          %dma_wait3A_363 = tpu.memref_slice %arg6[%mul3A_2, %dma_wait3A_361, %dma_wait3A_362] : memref<4096x200x64xf32, #tpu.memory_space<hbm>> -> memref<1x200x64xf32, #tpu.memory_space<hbm>>
          %dma_wait3A_364 = tpu.memref_squeeze %dma_wait3A_363 : memref<1x200x64xf32, #tpu.memory_space<hbm>> -> memref<200x64xf32, #tpu.memory_space<hbm>>
          tpu.wait_dma2 semaphore(%arg25 : memref<!tpu.dma_semaphore, #tpu.memory_space<semaphore_mem>>) src(%arg12 : memref<200x64xf32, #tpu.memory_space<vmem>>) dst(%dma_wait3A_364 : memref<200x64xf32, #tpu.memory_space<hbm>>)
        } else {
        }
        %add3A_329 = arith.constant 3 : i32
        %add3A_330 = arith.addi %add3A_147, %add3A_329 : i32
        %mul3A_331 = arith.constant 2 : i32
        %mul3A_332 = arith.muli %add3A_330, %mul3A_331 : i32
        %add3A_333 = arith.constant 0 : i32
        %add3A_334 = arith.addi %mul3A_332, %add3A_333 : i32
        %dma_start3A_335 = arith.constant 0 : i32
        %dma_start3A_336 = arith.constant 0 : i32
        %dma_start3A_337 = tpu.memref_slice %arg12[%dma_start3A_335, %dma_start3A_336] : memref<200x64xf32, #tpu.memory_space<vmem>> -> memref<100x64xf32, #tpu.memory_space<vmem>>
        %dma_start3A_338 = arith.constant 0 : i32
        %dma_start3A_339 = tpu.memref_slice %arg7[%add3A_334, %dma_start3A_338] : memref<256x100xi32, #tpu.memory_space<vmem>> -> memref<1x100xi32, #tpu.memory_space<vmem>>
        %dma_start3A_340 = tpu.memref_squeeze %dma_start3A_339 : memref<1x100xi32, #tpu.memory_space<vmem>> -> memref<100xi32, #tpu.memory_space<vmem>>
        %dma_start3A_341 = arith.constant 0 : i32
        %dma_start3A_342 = arith.constant 0 : i32
        %dma_start3A_343 = tpu.memref_slice %arg5[%dma_start3A_341, %dma_start3A_342] : memref<100000x64xf32, #tpu.memory_space<hbm>> -> memref<100000x64xf32, #tpu.memory_space<hbm>>
        tpu.enqueue_indirect_dma source(%dma_start3A_343 : memref<100000x64xf32, #tpu.memory_space<hbm>>) target(%dma_start3A_337 : memref<100x64xf32, #tpu.memory_space<vmem>>) offsets(%dma_start3A_340 : memref<100xi32, #tpu.memory_space<vmem>>) semaphore(%arg17 : memref<!tpu.dma_semaphore, #tpu.memory_space<semaphore_mem>>)
        %mul3A_344 = arith.constant 2 : i32
        %mul3A_345 = arith.muli %add3A_330, %mul3A_344 : i32
        %add3A_346 = arith.constant 1 : i32
        %add3A_347 = arith.addi %mul3A_345, %add3A_346 : i32
        %dma_start3A_348 = arith.constant 100 : i32
        %dma_start3A_349 = arith.constant 0 : i32
        %dma_start3A_350 = tpu.memref_slice %arg12[%dma_start3A_348, %dma_start3A_349] : memref<200x64xf32, #tpu.memory_space<vmem>> -> memref<100x64xf32, #tpu.memory_space<vmem>>
        %dma_start3A_351 = arith.constant 0 : i32
        %dma_start3A_352 = tpu.memref_slice %arg7[%add3A_347, %dma_start3A_351] : memref<256x100xi32, #tpu.memory_space<vmem>> -> memref<1x100xi32, #tpu.memory_space<vmem>>
        %dma_start3A_353 = tpu.memref_squeeze %dma_start3A_352 : memref<1x100xi32, #tpu.memory_space<vmem>> -> memref<100xi32, #tpu.memory_space<vmem>>
        %dma_start3A_354 = arith.constant 0 : i32
        %dma_start3A_355 = arith.constant 0 : i32
        %dma_start3A_356 = tpu.memref_slice %arg5[%dma_start3A_354, %dma_start3A_355] : memref<100000x64xf32, #tpu.memory_space<hbm>> -> memref<100000x64xf32, #tpu.memory_space<hbm>>
        tpu.enqueue_indirect_dma source(%dma_start3A_356 : memref<100000x64xf32, #tpu.memory_space<hbm>>) target(%dma_start3A_350 : memref<100x64xf32, #tpu.memory_space<vmem>>) offsets(%dma_start3A_353 : memref<100xi32, #tpu.memory_space<vmem>>) semaphore(%arg17 : memref<!tpu.dma_semaphore, #tpu.memory_space<semaphore_mem>>)
      } else {
      }
      %add3A_190 = arith.constant 1 : i32
      %add3A_191 = arith.addi %add3A_145, %add3A_190 : i32
      %add3A_192 = arith.constant 1 : i32
      %add3A_193 = arith.addi %add3A_191, %add3A_192 : i32
      %lt3A_194 = arith.constant 128 : i32
      %lt3A_195 = arith.cmpi slt, %add3A_193, %lt3A_194 : i32
      %convert_element_type3A_196 = arith.extui %lt3A_195 : i1 to i32
      %cond3A_197 = arith.constant 0 : i32
      %cond3A_198 = arith.cmpi ne, %convert_element_type3A_196, %cond3A_197 : i32
      scf.if %cond3A_198 {
        %dma_wait3A_325 = arith.constant 0 : i32
        %dma_wait3A_326 = arith.constant 0 : i32
        %dma_wait3A_327 = arith.constant 0 : i32
        %dma_wait3A_328 = tpu.memref_slice %arg11[%dma_wait3A_326, %dma_wait3A_327] : memref<200x64xf32, #tpu.memory_space<vmem>> -> memref<100x64xf32, #tpu.memory_space<vmem>>
        %dma_wait3A_329 = arith.constant 0 : i32
        %dma_wait3A_330 = tpu.memref_slice %arg7[%dma_wait3A_325, %dma_wait3A_329] : memref<256x100xi32, #tpu.memory_space<vmem>> -> memref<1x100xi32, #tpu.memory_space<vmem>>
        %dma_wait3A_331 = tpu.memref_squeeze %dma_wait3A_330 : memref<1x100xi32, #tpu.memory_space<vmem>> -> memref<100xi32, #tpu.memory_space<vmem>>
        %dma_wait3A_332 = arith.constant 0 : i32
        %dma_wait3A_333 = arith.constant 0 : i32
        %dma_wait3A_334 = tpu.memref_slice %arg5[%dma_wait3A_332, %dma_wait3A_333] : memref<100000x64xf32, #tpu.memory_space<hbm>> -> memref<100000x64xf32, #tpu.memory_space<hbm>>
        tpu.wait_indirect_dma semaphore(%arg16 : memref<!tpu.dma_semaphore, #tpu.memory_space<semaphore_mem>>) src(%dma_wait3A_334 : memref<100000x64xf32, #tpu.memory_space<hbm>>) dst(%dma_wait3A_328 : memref<100x64xf32, #tpu.memory_space<vmem>>)
        %dma_wait3A_335 = arith.constant 1 : i32
        %dma_wait3A_336 = arith.constant 100 : i32
        %dma_wait3A_337 = arith.constant 0 : i32
        %dma_wait3A_338 = tpu.memref_slice %arg11[%dma_wait3A_336, %dma_wait3A_337] : memref<200x64xf32, #tpu.memory_space<vmem>> -> memref<100x64xf32, #tpu.memory_space<vmem>>
        %dma_wait3A_339 = arith.constant 0 : i32
        %dma_wait3A_340 = tpu.memref_slice %arg7[%dma_wait3A_335, %dma_wait3A_339] : memref<256x100xi32, #tpu.memory_space<vmem>> -> memref<1x100xi32, #tpu.memory_space<vmem>>
        %dma_wait3A_341 = tpu.memref_squeeze %dma_wait3A_340 : memref<1x100xi32, #tpu.memory_space<vmem>> -> memref<100xi32, #tpu.memory_space<vmem>>
        %dma_wait3A_342 = arith.constant 0 : i32
        %dma_wait3A_343 = arith.constant 0 : i32
        %dma_wait3A_344 = tpu.memref_slice %arg5[%dma_wait3A_342, %dma_wait3A_343] : memref<100000x64xf32, #tpu.memory_space<hbm>> -> memref<100000x64xf32, #tpu.memory_space<hbm>>
        tpu.wait_indirect_dma semaphore(%arg16 : memref<!tpu.dma_semaphore, #tpu.memory_space<semaphore_mem>>) src(%dma_wait3A_344 : memref<100000x64xf32, #tpu.memory_space<hbm>>) dst(%dma_wait3A_338 : memref<100x64xf32, #tpu.memory_space<vmem>>)
        %dma_start3A_345 = arith.constant 0 : i32
        %dma_start3A_346 = arith.constant 0 : i32
        %dma_start3A_347 = arith.constant 0 : i32
        %dma_start3A_348 = tpu.memref_slice %arg11[%dma_start3A_346, %dma_start3A_347] : memref<200x64xf32, #tpu.memory_space<vmem>> -> memref<100x64xf32, #tpu.memory_space<vmem>>
        %dma_start3A_349 = arith.constant 0 : i32
        %dma_start3A_350 = tpu.memref_slice %arg8[%dma_start3A_345, %dma_start3A_349] : memref<2x100xi32, #tpu.memory_space<vmem>> -> memref<1x100xi32, #tpu.memory_space<vmem>>
        %dma_start3A_351 = tpu.memref_squeeze %dma_start3A_350 : memref<1x100xi32, #tpu.memory_space<vmem>> -> memref<100xi32, #tpu.memory_space<vmem>>
        %dma_start3A_352 = arith.constant 0 : i32
        %dma_start3A_353 = arith.constant 0 : i32
        %dma_start3A_354 = tpu.memref_slice %arg13[%dma_start3A_352, %dma_start3A_353] : memref<200x64xf32, #tpu.memory_space<vmem_shared>> -> memref<200x64xf32, #tpu.memory_space<vmem_shared>>
        tpu.enqueue_indirect_dma source(%dma_start3A_354 : memref<200x64xf32, #tpu.memory_space<vmem_shared>>) target(%dma_start3A_348 : memref<100x64xf32, #tpu.memory_space<vmem>>) offsets(%dma_start3A_351 : memref<100xi32, #tpu.memory_space<vmem>>) semaphore(%arg20 : memref<!tpu.dma_semaphore, #tpu.memory_space<semaphore_mem>>) {add = true}
        %dma_start3A_355 = arith.constant 1 : i32
        %dma_start3A_356 = arith.constant 100 : i32
        %dma_start3A_357 = arith.constant 0 : i32
        %dma_start3A_358 = tpu.memref_slice %arg11[%dma_start3A_356, %dma_start3A_357] : memref<200x64xf32, #tpu.memory_space<vmem>> -> memref<100x64xf32, #tpu.memory_space<vmem>>
        %dma_start3A_359 = arith.constant 0 : i32
        %dma_start3A_360 = tpu.memref_slice %arg8[%dma_start3A_355, %dma_start3A_359] : memref<2x100xi32, #tpu.memory_space<vmem>> -> memref<1x100xi32, #tpu.memory_space<vmem>>
        %dma_start3A_361 = tpu.memref_squeeze %dma_start3A_360 : memref<1x100xi32, #tpu.memory_space<vmem>> -> memref<100xi32, #tpu.memory_space<vmem>>
        %dma_start3A_362 = arith.constant 0 : i32
        %dma_start3A_363 = arith.constant 0 : i32
        %dma_start3A_364 = tpu.memref_slice %arg13[%dma_start3A_362, %dma_start3A_363] : memref<200x64xf32, #tpu.memory_space<vmem_shared>> -> memref<200x64xf32, #tpu.memory_space<vmem_shared>>
        tpu.enqueue_indirect_dma source(%dma_start3A_364 : memref<200x64xf32, #tpu.memory_space<vmem_shared>>) target(%dma_start3A_358 : memref<100x64xf32, #tpu.memory_space<vmem>>) offsets(%dma_start3A_361 : memref<100xi32, #tpu.memory_space<vmem>>) semaphore(%arg20 : memref<!tpu.dma_semaphore, #tpu.memory_space<semaphore_mem>>) {add = true}
      } else {
      }
      %dma_wait3A_199 = arith.constant 0 : i32
      %dma_wait3A_200 = arith.constant 0 : i32
      %dma_wait3A_201 = arith.constant 0 : i32
      %dma_wait3A_202 = tpu.memref_slice %arg10[%dma_wait3A_200, %dma_wait3A_201] : memref<200x64xf32, #tpu.memory_space<vmem>> -> memref<100x64xf32, #tpu.memory_space<vmem>>
      %dma_wait3A_203 = arith.constant 0 : i32
      %dma_wait3A_204 = tpu.memref_slice %arg8[%dma_wait3A_199, %dma_wait3A_203] : memref<2x100xi32, #tpu.memory_space<vmem>> -> memref<1x100xi32, #tpu.memory_space<vmem>>
      %dma_wait3A_205 = tpu.memref_squeeze %dma_wait3A_204 : memref<1x100xi32, #tpu.memory_space<vmem>> -> memref<100xi32, #tpu.memory_space<vmem>>
      %dma_wait3A_206 = arith.constant 0 : i32
      %dma_wait3A_207 = arith.constant 0 : i32
      %dma_wait3A_208 = tpu.memref_slice %arg13[%dma_wait3A_206, %dma_wait3A_207] : memref<200x64xf32, #tpu.memory_space<vmem_shared>> -> memref<200x64xf32, #tpu.memory_space<vmem_shared>>
      tpu.wait_indirect_dma semaphore(%arg19 : memref<!tpu.dma_semaphore, #tpu.memory_space<semaphore_mem>>) src(%dma_wait3A_208 : memref<200x64xf32, #tpu.memory_space<vmem_shared>>) dst(%dma_wait3A_202 : memref<100x64xf32, #tpu.memory_space<vmem>>)
      %dma_wait3A_209 = arith.constant 1 : i32
      %dma_wait3A_210 = arith.constant 100 : i32
      %dma_wait3A_211 = arith.constant 0 : i32
      %dma_wait3A_212 = tpu.memref_slice %arg10[%dma_wait3A_210, %dma_wait3A_211] : memref<200x64xf32, #tpu.memory_space<vmem>> -> memref<100x64xf32, #tpu.memory_space<vmem>>
      %dma_wait3A_213 = arith.constant 0 : i32
      %dma_wait3A_214 = tpu.memref_slice %arg8[%dma_wait3A_209, %dma_wait3A_213] : memref<2x100xi32, #tpu.memory_space<vmem>> -> memref<1x100xi32, #tpu.memory_space<vmem>>
      %dma_wait3A_215 = tpu.memref_squeeze %dma_wait3A_214 : memref<1x100xi32, #tpu.memory_space<vmem>> -> memref<100xi32, #tpu.memory_space<vmem>>
      %dma_wait3A_216 = arith.constant 0 : i32
      %dma_wait3A_217 = arith.constant 0 : i32
      %dma_wait3A_218 = tpu.memref_slice %arg13[%dma_wait3A_216, %dma_wait3A_217] : memref<200x64xf32, #tpu.memory_space<vmem_shared>> -> memref<200x64xf32, #tpu.memory_space<vmem_shared>>
      tpu.wait_indirect_dma semaphore(%arg19 : memref<!tpu.dma_semaphore, #tpu.memory_space<semaphore_mem>>) src(%dma_wait3A_218 : memref<200x64xf32, #tpu.memory_space<vmem_shared>>) dst(%dma_wait3A_212 : memref<100x64xf32, #tpu.memory_space<vmem>>)
      %add3A_219 = arith.addi %mul3A_2, %add3A_191 : i32
      %dma_start3A_220 = arith.constant 0 : i32
      %dma_start3A_221 = arith.constant 0 : i32
      %dma_start3A_222 = tpu.memref_slice %arg6[%add3A_219, %dma_start3A_220, %dma_start3A_221] : memref<4096x200x64xf32, #tpu.memory_space<hbm>> -> memref<1x200x64xf32, #tpu.memory_space<hbm>>
      %dma_start3A_223 = tpu.memref_squeeze %dma_start3A_222 : memref<1x200x64xf32, #tpu.memory_space<hbm>> -> memref<200x64xf32, #tpu.memory_space<hbm>>
      %dma_start3A_224 = arith.constant 0 : i32
      %dma_start3A_225 = arith.constant 0 : i32
      %dma_start3A_226 = tpu.memref_slice %arg6[%add3A_219, %dma_start3A_224, %dma_start3A_225] : memref<4096x200x64xf32, #tpu.memory_space<hbm>> -> memref<1x200x64xf32, #tpu.memory_space<hbm>>
      %dma_start3A_227 = tpu.memref_squeeze %dma_start3A_226 : memref<1x200x64xf32, #tpu.memory_space<hbm>> -> memref<200x64xf32, #tpu.memory_space<hbm>>
      tpu.enqueue_dma source(%arg10 : memref<200x64xf32, #tpu.memory_space<vmem>>) target(%dma_start3A_227 : memref<200x64xf32, #tpu.memory_space<hbm>>) target_semaphore(%arg23 : memref<!tpu.dma_semaphore, #tpu.memory_space<semaphore_mem>>)
      %add3A_228 = arith.constant 3 : i32
      %add3A_229 = arith.addi %add3A_191, %add3A_228 : i32
      %lt3A_230 = arith.constant 128 : i32
      %lt3A_231 = arith.cmpi slt, %add3A_229, %lt3A_230 : i32
      %convert_element_type3A_232 = arith.extui %lt3A_231 : i1 to i32
      %cond3A_233 = arith.constant 0 : i32
      %cond3A_234 = arith.cmpi ne, %convert_element_type3A_232, %cond3A_233 : i32
      scf.if %cond3A_234 {
        %ge3A = arith.constant 1 : i32
        %ge3A_325 = arith.cmpi sge, %add3A_191, %ge3A : i32
        %convert_element_type3A_326 = arith.extui %ge3A_325 : i1 to i32
        %cond3A_327 = arith.constant 0 : i32
        %cond3A_328 = arith.cmpi ne, %convert_element_type3A_326, %cond3A_327 : i32
        scf.if %cond3A_328 {
          %dma_wait3A_357 = arith.constant 0 : i32
          %dma_wait3A_358 = arith.constant 0 : i32
          %dma_wait3A_359 = tpu.memref_slice %arg6[%mul3A_2, %dma_wait3A_357, %dma_wait3A_358] : memref<4096x200x64xf32, #tpu.memory_space<hbm>> -> memref<1x200x64xf32, #tpu.memory_space<hbm>>
          %dma_wait3A_360 = tpu.memref_squeeze %dma_wait3A_359 : memref<1x200x64xf32, #tpu.memory_space<hbm>> -> memref<200x64xf32, #tpu.memory_space<hbm>>
          %dma_wait3A_361 = arith.constant 0 : i32
          %dma_wait3A_362 = arith.constant 0 : i32
          %dma_wait3A_363 = tpu.memref_slice %arg6[%mul3A_2, %dma_wait3A_361, %dma_wait3A_362] : memref<4096x200x64xf32, #tpu.memory_space<hbm>> -> memref<1x200x64xf32, #tpu.memory_space<hbm>>
          %dma_wait3A_364 = tpu.memref_squeeze %dma_wait3A_363 : memref<1x200x64xf32, #tpu.memory_space<hbm>> -> memref<200x64xf32, #tpu.memory_space<hbm>>
          tpu.wait_dma2 semaphore(%arg22 : memref<!tpu.dma_semaphore, #tpu.memory_space<semaphore_mem>>) src(%arg9 : memref<200x64xf32, #tpu.memory_space<vmem>>) dst(%dma_wait3A_364 : memref<200x64xf32, #tpu.memory_space<hbm>>)
        } else {
        }
        %add3A_329 = arith.constant 3 : i32
        %add3A_330 = arith.addi %add3A_191, %add3A_329 : i32
        %mul3A_331 = arith.constant 2 : i32
        %mul3A_332 = arith.muli %add3A_330, %mul3A_331 : i32
        %add3A_333 = arith.constant 0 : i32
        %add3A_334 = arith.addi %mul3A_332, %add3A_333 : i32
        %dma_start3A_335 = arith.constant 0 : i32
        %dma_start3A_336 = arith.constant 0 : i32
        %dma_start3A_337 = tpu.memref_slice %arg9[%dma_start3A_335, %dma_start3A_336] : memref<200x64xf32, #tpu.memory_space<vmem>> -> memref<100x64xf32, #tpu.memory_space<vmem>>
        %dma_start3A_338 = arith.constant 0 : i32
        %dma_start3A_339 = tpu.memref_slice %arg7[%add3A_334, %dma_start3A_338] : memref<256x100xi32, #tpu.memory_space<vmem>> -> memref<1x100xi32, #tpu.memory_space<vmem>>
        %dma_start3A_340 = tpu.memref_squeeze %dma_start3A_339 : memref<1x100xi32, #tpu.memory_space<vmem>> -> memref<100xi32, #tpu.memory_space<vmem>>
        %dma_start3A_341 = arith.constant 0 : i32
        %dma_start3A_342 = arith.constant 0 : i32
        %dma_start3A_343 = tpu.memref_slice %arg5[%dma_start3A_341, %dma_start3A_342] : memref<100000x64xf32, #tpu.memory_space<hbm>> -> memref<100000x64xf32, #tpu.memory_space<hbm>>
        tpu.enqueue_indirect_dma source(%dma_start3A_343 : memref<100000x64xf32, #tpu.memory_space<hbm>>) target(%dma_start3A_337 : memref<100x64xf32, #tpu.memory_space<vmem>>) offsets(%dma_start3A_340 : memref<100xi32, #tpu.memory_space<vmem>>) semaphore(%arg14 : memref<!tpu.dma_semaphore, #tpu.memory_space<semaphore_mem>>)
        %mul3A_344 = arith.constant 2 : i32
        %mul3A_345 = arith.muli %add3A_330, %mul3A_344 : i32
        %add3A_346 = arith.constant 1 : i32
        %add3A_347 = arith.addi %mul3A_345, %add3A_346 : i32
        %dma_start3A_348 = arith.constant 100 : i32
        %dma_start3A_349 = arith.constant 0 : i32
        %dma_start3A_350 = tpu.memref_slice %arg9[%dma_start3A_348, %dma_start3A_349] : memref<200x64xf32, #tpu.memory_space<vmem>> -> memref<100x64xf32, #tpu.memory_space<vmem>>
        %dma_start3A_351 = arith.constant 0 : i32
        %dma_start3A_352 = tpu.memref_slice %arg7[%add3A_347, %dma_start3A_351] : memref<256x100xi32, #tpu.memory_space<vmem>> -> memref<1x100xi32, #tpu.memory_space<vmem>>
        %dma_start3A_353 = tpu.memref_squeeze %dma_start3A_352 : memref<1x100xi32, #tpu.memory_space<vmem>> -> memref<100xi32, #tpu.memory_space<vmem>>
        %dma_start3A_354 = arith.constant 0 : i32
        %dma_start3A_355 = arith.constant 0 : i32
        %dma_start3A_356 = tpu.memref_slice %arg5[%dma_start3A_354, %dma_start3A_355] : memref<100000x64xf32, #tpu.memory_space<hbm>> -> memref<100000x64xf32, #tpu.memory_space<hbm>>
        tpu.enqueue_indirect_dma source(%dma_start3A_356 : memref<100000x64xf32, #tpu.memory_space<hbm>>) target(%dma_start3A_350 : memref<100x64xf32, #tpu.memory_space<vmem>>) offsets(%dma_start3A_353 : memref<100xi32, #tpu.memory_space<vmem>>) semaphore(%arg14 : memref<!tpu.dma_semaphore, #tpu.memory_space<semaphore_mem>>)
      } else {
      }
      %add3A_235 = arith.constant 2 : i32
      %add3A_236 = arith.addi %add3A_145, %add3A_235 : i32
      %add3A_237 = arith.constant 1 : i32
      %add3A_238 = arith.addi %add3A_236, %add3A_237 : i32
      %lt3A_239 = arith.constant 128 : i32
      %lt3A_240 = arith.cmpi slt, %add3A_238, %lt3A_239 : i32
      %convert_element_type3A_241 = arith.extui %lt3A_240 : i1 to i32
      %cond3A_242 = arith.constant 0 : i32
      %cond3A_243 = arith.cmpi ne, %convert_element_type3A_241, %cond3A_242 : i32
      scf.if %cond3A_243 {
        %dma_wait3A_325 = arith.constant 0 : i32
        %dma_wait3A_326 = arith.constant 0 : i32
        %dma_wait3A_327 = arith.constant 0 : i32
        %dma_wait3A_328 = tpu.memref_slice %arg12[%dma_wait3A_326, %dma_wait3A_327] : memref<200x64xf32, #tpu.memory_space<vmem>> -> memref<100x64xf32, #tpu.memory_space<vmem>>
        %dma_wait3A_329 = arith.constant 0 : i32
        %dma_wait3A_330 = tpu.memref_slice %arg7[%dma_wait3A_325, %dma_wait3A_329] : memref<256x100xi32, #tpu.memory_space<vmem>> -> memref<1x100xi32, #tpu.memory_space<vmem>>
        %dma_wait3A_331 = tpu.memref_squeeze %dma_wait3A_330 : memref<1x100xi32, #tpu.memory_space<vmem>> -> memref<100xi32, #tpu.memory_space<vmem>>
        %dma_wait3A_332 = arith.constant 0 : i32
        %dma_wait3A_333 = arith.constant 0 : i32
        %dma_wait3A_334 = tpu.memref_slice %arg5[%dma_wait3A_332, %dma_wait3A_333] : memref<100000x64xf32, #tpu.memory_space<hbm>> -> memref<100000x64xf32, #tpu.memory_space<hbm>>
        tpu.wait_indirect_dma semaphore(%arg17 : memref<!tpu.dma_semaphore, #tpu.memory_space<semaphore_mem>>) src(%dma_wait3A_334 : memref<100000x64xf32, #tpu.memory_space<hbm>>) dst(%dma_wait3A_328 : memref<100x64xf32, #tpu.memory_space<vmem>>)
        %dma_wait3A_335 = arith.constant 1 : i32
        %dma_wait3A_336 = arith.constant 100 : i32
        %dma_wait3A_337 = arith.constant 0 : i32
        %dma_wait3A_338 = tpu.memref_slice %arg12[%dma_wait3A_336, %dma_wait3A_337] : memref<200x64xf32, #tpu.memory_space<vmem>> -> memref<100x64xf32, #tpu.memory_space<vmem>>
        %dma_wait3A_339 = arith.constant 0 : i32
        %dma_wait3A_340 = tpu.memref_slice %arg7[%dma_wait3A_335, %dma_wait3A_339] : memref<256x100xi32, #tpu.memory_space<vmem>> -> memref<1x100xi32, #tpu.memory_space<vmem>>
        %dma_wait3A_341 = tpu.memref_squeeze %dma_wait3A_340 : memref<1x100xi32, #tpu.memory_space<vmem>> -> memref<100xi32, #tpu.memory_space<vmem>>
        %dma_wait3A_342 = arith.constant 0 : i32
        %dma_wait3A_343 = arith.constant 0 : i32
        %dma_wait3A_344 = tpu.memref_slice %arg5[%dma_wait3A_342, %dma_wait3A_343] : memref<100000x64xf32, #tpu.memory_space<hbm>> -> memref<100000x64xf32, #tpu.memory_space<hbm>>
        tpu.wait_indirect_dma semaphore(%arg17 : memref<!tpu.dma_semaphore, #tpu.memory_space<semaphore_mem>>) src(%dma_wait3A_344 : memref<100000x64xf32, #tpu.memory_space<hbm>>) dst(%dma_wait3A_338 : memref<100x64xf32, #tpu.memory_space<vmem>>)
        %dma_start3A_345 = arith.constant 0 : i32
        %dma_start3A_346 = arith.constant 0 : i32
        %dma_start3A_347 = arith.constant 0 : i32
        %dma_start3A_348 = tpu.memref_slice %arg12[%dma_start3A_346, %dma_start3A_347] : memref<200x64xf32, #tpu.memory_space<vmem>> -> memref<100x64xf32, #tpu.memory_space<vmem>>
        %dma_start3A_349 = arith.constant 0 : i32
        %dma_start3A_350 = tpu.memref_slice %arg8[%dma_start3A_345, %dma_start3A_349] : memref<2x100xi32, #tpu.memory_space<vmem>> -> memref<1x100xi32, #tpu.memory_space<vmem>>
        %dma_start3A_351 = tpu.memref_squeeze %dma_start3A_350 : memref<1x100xi32, #tpu.memory_space<vmem>> -> memref<100xi32, #tpu.memory_space<vmem>>
        %dma_start3A_352 = arith.constant 0 : i32
        %dma_start3A_353 = arith.constant 0 : i32
        %dma_start3A_354 = tpu.memref_slice %arg13[%dma_start3A_352, %dma_start3A_353] : memref<200x64xf32, #tpu.memory_space<vmem_shared>> -> memref<200x64xf32, #tpu.memory_space<vmem_shared>>
        tpu.enqueue_indirect_dma source(%dma_start3A_354 : memref<200x64xf32, #tpu.memory_space<vmem_shared>>) target(%dma_start3A_348 : memref<100x64xf32, #tpu.memory_space<vmem>>) offsets(%dma_start3A_351 : memref<100xi32, #tpu.memory_space<vmem>>) semaphore(%arg21 : memref<!tpu.dma_semaphore, #tpu.memory_space<semaphore_mem>>) {add = true}
        %dma_start3A_355 = arith.constant 1 : i32
        %dma_start3A_356 = arith.constant 100 : i32
        %dma_start3A_357 = arith.constant 0 : i32
        %dma_start3A_358 = tpu.memref_slice %arg12[%dma_start3A_356, %dma_start3A_357] : memref<200x64xf32, #tpu.memory_space<vmem>> -> memref<100x64xf32, #tpu.memory_space<vmem>>
        %dma_start3A_359 = arith.constant 0 : i32
        %dma_start3A_360 = tpu.memref_slice %arg8[%dma_start3A_355, %dma_start3A_359] : memref<2x100xi32, #tpu.memory_space<vmem>> -> memref<1x100xi32, #tpu.memory_space<vmem>>
        %dma_start3A_361 = tpu.memref_squeeze %dma_start3A_360 : memref<1x100xi32, #tpu.memory_space<vmem>> -> memref<100xi32, #tpu.memory_space<vmem>>
        %dma_start3A_362 = arith.constant 0 : i32
        %dma_start3A_363 = arith.constant 0 : i32
        %dma_start3A_364 = tpu.memref_slice %arg13[%dma_start3A_362, %dma_start3A_363] : memref<200x64xf32, #tpu.memory_space<vmem_shared>> -> memref<200x64xf32, #tpu.memory_space<vmem_shared>>
        tpu.enqueue_indirect_dma source(%dma_start3A_364 : memref<200x64xf32, #tpu.memory_space<vmem_shared>>) target(%dma_start3A_358 : memref<100x64xf32, #tpu.memory_space<vmem>>) offsets(%dma_start3A_361 : memref<100xi32, #tpu.memory_space<vmem>>) semaphore(%arg21 : memref<!tpu.dma_semaphore, #tpu.memory_space<semaphore_mem>>) {add = true}
      } else {
      }
      %dma_wait3A_244 = arith.constant 0 : i32
      %dma_wait3A_245 = arith.constant 0 : i32
      %dma_wait3A_246 = arith.constant 0 : i32
      %dma_wait3A_247 = tpu.memref_slice %arg11[%dma_wait3A_245, %dma_wait3A_246] : memref<200x64xf32, #tpu.memory_space<vmem>> -> memref<100x64xf32, #tpu.memory_space<vmem>>
      %dma_wait3A_248 = arith.constant 0 : i32
      %dma_wait3A_249 = tpu.memref_slice %arg8[%dma_wait3A_244, %dma_wait3A_248] : memref<2x100xi32, #tpu.memory_space<vmem>> -> memref<1x100xi32, #tpu.memory_space<vmem>>
      %dma_wait3A_250 = tpu.memref_squeeze %dma_wait3A_249 : memref<1x100xi32, #tpu.memory_space<vmem>> -> memref<100xi32, #tpu.memory_space<vmem>>
      %dma_wait3A_251 = arith.constant 0 : i32
      %dma_wait3A_252 = arith.constant 0 : i32
      %dma_wait3A_253 = tpu.memref_slice %arg13[%dma_wait3A_251, %dma_wait3A_252] : memref<200x64xf32, #tpu.memory_space<vmem_shared>> -> memref<200x64xf32, #tpu.memory_space<vmem_shared>>
      tpu.wait_indirect_dma semaphore(%arg20 : memref<!tpu.dma_semaphore, #tpu.memory_space<semaphore_mem>>) src(%dma_wait3A_253 : memref<200x64xf32, #tpu.memory_space<vmem_shared>>) dst(%dma_wait3A_247 : memref<100x64xf32, #tpu.memory_space<vmem>>)
      %dma_wait3A_254 = arith.constant 1 : i32
      %dma_wait3A_255 = arith.constant 100 : i32
      %dma_wait3A_256 = arith.constant 0 : i32
      %dma_wait3A_257 = tpu.memref_slice %arg11[%dma_wait3A_255, %dma_wait3A_256] : memref<200x64xf32, #tpu.memory_space<vmem>> -> memref<100x64xf32, #tpu.memory_space<vmem>>
      %dma_wait3A_258 = arith.constant 0 : i32
      %dma_wait3A_259 = tpu.memref_slice %arg8[%dma_wait3A_254, %dma_wait3A_258] : memref<2x100xi32, #tpu.memory_space<vmem>> -> memref<1x100xi32, #tpu.memory_space<vmem>>
      %dma_wait3A_260 = tpu.memref_squeeze %dma_wait3A_259 : memref<1x100xi32, #tpu.memory_space<vmem>> -> memref<100xi32, #tpu.memory_space<vmem>>
      %dma_wait3A_261 = arith.constant 0 : i32
      %dma_wait3A_262 = arith.constant 0 : i32
      %dma_wait3A_263 = tpu.memref_slice %arg13[%dma_wait3A_261, %dma_wait3A_262] : memref<200x64xf32, #tpu.memory_space<vmem_shared>> -> memref<200x64xf32, #tpu.memory_space<vmem_shared>>
      tpu.wait_indirect_dma semaphore(%arg20 : memref<!tpu.dma_semaphore, #tpu.memory_space<semaphore_mem>>) src(%dma_wait3A_263 : memref<200x64xf32, #tpu.memory_space<vmem_shared>>) dst(%dma_wait3A_257 : memref<100x64xf32, #tpu.memory_space<vmem>>)
      %add3A_264 = arith.addi %mul3A_2, %add3A_236 : i32
      %dma_start3A_265 = arith.constant 0 : i32
      %dma_start3A_266 = arith.constant 0 : i32
      %dma_start3A_267 = tpu.memref_slice %arg6[%add3A_264, %dma_start3A_265, %dma_start3A_266] : memref<4096x200x64xf32, #tpu.memory_space<hbm>> -> memref<1x200x64xf32, #tpu.memory_space<hbm>>
      %dma_start3A_268 = tpu.memref_squeeze %dma_start3A_267 : memref<1x200x64xf32, #tpu.memory_space<hbm>> -> memref<200x64xf32, #tpu.memory_space<hbm>>
      %dma_start3A_269 = arith.constant 0 : i32
      %dma_start3A_270 = arith.constant 0 : i32
      %dma_start3A_271 = tpu.memref_slice %arg6[%add3A_264, %dma_start3A_269, %dma_start3A_270] : memref<4096x200x64xf32, #tpu.memory_space<hbm>> -> memref<1x200x64xf32, #tpu.memory_space<hbm>>
      %dma_start3A_272 = tpu.memref_squeeze %dma_start3A_271 : memref<1x200x64xf32, #tpu.memory_space<hbm>> -> memref<200x64xf32, #tpu.memory_space<hbm>>
      tpu.enqueue_dma source(%arg11 : memref<200x64xf32, #tpu.memory_space<vmem>>) target(%dma_start3A_272 : memref<200x64xf32, #tpu.memory_space<hbm>>) target_semaphore(%arg24 : memref<!tpu.dma_semaphore, #tpu.memory_space<semaphore_mem>>)
      %add3A_273 = arith.constant 3 : i32
      %add3A_274 = arith.addi %add3A_236, %add3A_273 : i32
      %lt3A_275 = arith.constant 128 : i32
      %lt3A_276 = arith.cmpi slt, %add3A_274, %lt3A_275 : i32
      %convert_element_type3A_277 = arith.extui %lt3A_276 : i1 to i32
      %cond3A_278 = arith.constant 0 : i32
      %cond3A_279 = arith.cmpi ne, %convert_element_type3A_277, %cond3A_278 : i32
      scf.if %cond3A_279 {
        %ge3A = arith.constant 1 : i32
        %ge3A_325 = arith.cmpi sge, %add3A_236, %ge3A : i32
        %convert_element_type3A_326 = arith.extui %ge3A_325 : i1 to i32
        %cond3A_327 = arith.constant 0 : i32
        %cond3A_328 = arith.cmpi ne, %convert_element_type3A_326, %cond3A_327 : i32
        scf.if %cond3A_328 {
          %dma_wait3A_357 = arith.constant 0 : i32
          %dma_wait3A_358 = arith.constant 0 : i32
          %dma_wait3A_359 = tpu.memref_slice %arg6[%mul3A_2, %dma_wait3A_357, %dma_wait3A_358] : memref<4096x200x64xf32, #tpu.memory_space<hbm>> -> memref<1x200x64xf32, #tpu.memory_space<hbm>>
          %dma_wait3A_360 = tpu.memref_squeeze %dma_wait3A_359 : memref<1x200x64xf32, #tpu.memory_space<hbm>> -> memref<200x64xf32, #tpu.memory_space<hbm>>
          %dma_wait3A_361 = arith.constant 0 : i32
          %dma_wait3A_362 = arith.constant 0 : i32
          %dma_wait3A_363 = tpu.memref_slice %arg6[%mul3A_2, %dma_wait3A_361, %dma_wait3A_362] : memref<4096x200x64xf32, #tpu.memory_space<hbm>> -> memref<1x200x64xf32, #tpu.memory_space<hbm>>
          %dma_wait3A_364 = tpu.memref_squeeze %dma_wait3A_363 : memref<1x200x64xf32, #tpu.memory_space<hbm>> -> memref<200x64xf32, #tpu.memory_space<hbm>>
          tpu.wait_dma2 semaphore(%arg23 : memref<!tpu.dma_semaphore, #tpu.memory_space<semaphore_mem>>) src(%arg10 : memref<200x64xf32, #tpu.memory_space<vmem>>) dst(%dma_wait3A_364 : memref<200x64xf32, #tpu.memory_space<hbm>>)
        } else {
        }
        %add3A_329 = arith.constant 3 : i32
        %add3A_330 = arith.addi %add3A_236, %add3A_329 : i32
        %mul3A_331 = arith.constant 2 : i32
        %mul3A_332 = arith.muli %add3A_330, %mul3A_331 : i32
        %add3A_333 = arith.constant 0 : i32
        %add3A_334 = arith.addi %mul3A_332, %add3A_333 : i32
        %dma_start3A_335 = arith.constant 0 : i32
        %dma_start3A_336 = arith.constant 0 : i32
        %dma_start3A_337 = tpu.memref_slice %arg10[%dma_start3A_335, %dma_start3A_336] : memref<200x64xf32, #tpu.memory_space<vmem>> -> memref<100x64xf32, #tpu.memory_space<vmem>>
        %dma_start3A_338 = arith.constant 0 : i32
        %dma_start3A_339 = tpu.memref_slice %arg7[%add3A_334, %dma_start3A_338] : memref<256x100xi32, #tpu.memory_space<vmem>> -> memref<1x100xi32, #tpu.memory_space<vmem>>
        %dma_start3A_340 = tpu.memref_squeeze %dma_start3A_339 : memref<1x100xi32, #tpu.memory_space<vmem>> -> memref<100xi32, #tpu.memory_space<vmem>>
        %dma_start3A_341 = arith.constant 0 : i32
        %dma_start3A_342 = arith.constant 0 : i32
        %dma_start3A_343 = tpu.memref_slice %arg5[%dma_start3A_341, %dma_start3A_342] : memref<100000x64xf32, #tpu.memory_space<hbm>> -> memref<100000x64xf32, #tpu.memory_space<hbm>>
        tpu.enqueue_indirect_dma source(%dma_start3A_343 : memref<100000x64xf32, #tpu.memory_space<hbm>>) target(%dma_start3A_337 : memref<100x64xf32, #tpu.memory_space<vmem>>) offsets(%dma_start3A_340 : memref<100xi32, #tpu.memory_space<vmem>>) semaphore(%arg15 : memref<!tpu.dma_semaphore, #tpu.memory_space<semaphore_mem>>)
        %mul3A_344 = arith.constant 2 : i32
        %mul3A_345 = arith.muli %add3A_330, %mul3A_344 : i32
        %add3A_346 = arith.constant 1 : i32
        %add3A_347 = arith.addi %mul3A_345, %add3A_346 : i32
        %dma_start3A_348 = arith.constant 100 : i32
        %dma_start3A_349 = arith.constant 0 : i32
        %dma_start3A_350 = tpu.memref_slice %arg10[%dma_start3A_348, %dma_start3A_349] : memref<200x64xf32, #tpu.memory_space<vmem>> -> memref<100x64xf32, #tpu.memory_space<vmem>>
        %dma_start3A_351 = arith.constant 0 : i32
        %dma_start3A_352 = tpu.memref_slice %arg7[%add3A_347, %dma_start3A_351] : memref<256x100xi32, #tpu.memory_space<vmem>> -> memref<1x100xi32, #tpu.memory_space<vmem>>
        %dma_start3A_353 = tpu.memref_squeeze %dma_start3A_352 : memref<1x100xi32, #tpu.memory_space<vmem>> -> memref<100xi32, #tpu.memory_space<vmem>>
        %dma_start3A_354 = arith.constant 0 : i32
        %dma_start3A_355 = arith.constant 0 : i32
        %dma_start3A_356 = tpu.memref_slice %arg5[%dma_start3A_354, %dma_start3A_355] : memref<100000x64xf32, #tpu.memory_space<hbm>> -> memref<100000x64xf32, #tpu.memory_space<hbm>>
        tpu.enqueue_indirect_dma source(%dma_start3A_356 : memref<100000x64xf32, #tpu.memory_space<hbm>>) target(%dma_start3A_350 : memref<100x64xf32, #tpu.memory_space<vmem>>) offsets(%dma_start3A_353 : memref<100xi32, #tpu.memory_space<vmem>>) semaphore(%arg15 : memref<!tpu.dma_semaphore, #tpu.memory_space<semaphore_mem>>)
      } else {
      }
      %add3A_280 = arith.constant 3 : i32
      %add3A_281 = arith.addi %add3A_145, %add3A_280 : i32
      %add3A_282 = arith.constant 1 : i32
      %add3A_283 = arith.addi %add3A_281, %add3A_282 : i32
      %lt3A_284 = arith.constant 128 : i32
      %lt3A_285 = arith.cmpi slt, %add3A_283, %lt3A_284 : i32
      %convert_element_type3A_286 = arith.extui %lt3A_285 : i1 to i32
      %cond3A_287 = arith.constant 0 : i32
      %cond3A_288 = arith.cmpi ne, %convert_element_type3A_286, %cond3A_287 : i32
      scf.if %cond3A_288 {
        %dma_wait3A_325 = arith.constant 0 : i32
        %dma_wait3A_326 = arith.constant 0 : i32
        %dma_wait3A_327 = arith.constant 0 : i32
        %dma_wait3A_328 = tpu.memref_slice %arg9[%dma_wait3A_326, %dma_wait3A_327] : memref<200x64xf32, #tpu.memory_space<vmem>> -> memref<100x64xf32, #tpu.memory_space<vmem>>
        %dma_wait3A_329 = arith.constant 0 : i32
        %dma_wait3A_330 = tpu.memref_slice %arg7[%dma_wait3A_325, %dma_wait3A_329] : memref<256x100xi32, #tpu.memory_space<vmem>> -> memref<1x100xi32, #tpu.memory_space<vmem>>
        %dma_wait3A_331 = tpu.memref_squeeze %dma_wait3A_330 : memref<1x100xi32, #tpu.memory_space<vmem>> -> memref<100xi32, #tpu.memory_space<vmem>>
        %dma_wait3A_332 = arith.constant 0 : i32
        %dma_wait3A_333 = arith.constant 0 : i32
        %dma_wait3A_334 = tpu.memref_slice %arg5[%dma_wait3A_332, %dma_wait3A_333] : memref<100000x64xf32, #tpu.memory_space<hbm>> -> memref<100000x64xf32, #tpu.memory_space<hbm>>
        tpu.wait_indirect_dma semaphore(%arg14 : memref<!tpu.dma_semaphore, #tpu.memory_space<semaphore_mem>>) src(%dma_wait3A_334 : memref<100000x64xf32, #tpu.memory_space<hbm>>) dst(%dma_wait3A_328 : memref<100x64xf32, #tpu.memory_space<vmem>>)
        %dma_wait3A_335 = arith.constant 1 : i32
        %dma_wait3A_336 = arith.constant 100 : i32
        %dma_wait3A_337 = arith.constant 0 : i32
        %dma_wait3A_338 = tpu.memref_slice %arg9[%dma_wait3A_336, %dma_wait3A_337] : memref<200x64xf32, #tpu.memory_space<vmem>> -> memref<100x64xf32, #tpu.memory_space<vmem>>
        %dma_wait3A_339 = arith.constant 0 : i32
        %dma_wait3A_340 = tpu.memref_slice %arg7[%dma_wait3A_335, %dma_wait3A_339] : memref<256x100xi32, #tpu.memory_space<vmem>> -> memref<1x100xi32, #tpu.memory_space<vmem>>
        %dma_wait3A_341 = tpu.memref_squeeze %dma_wait3A_340 : memref<1x100xi32, #tpu.memory_space<vmem>> -> memref<100xi32, #tpu.memory_space<vmem>>
        %dma_wait3A_342 = arith.constant 0 : i32
        %dma_wait3A_343 = arith.constant 0 : i32
        %dma_wait3A_344 = tpu.memref_slice %arg5[%dma_wait3A_342, %dma_wait3A_343] : memref<100000x64xf32, #tpu.memory_space<hbm>> -> memref<100000x64xf32, #tpu.memory_space<hbm>>
        tpu.wait_indirect_dma semaphore(%arg14 : memref<!tpu.dma_semaphore, #tpu.memory_space<semaphore_mem>>) src(%dma_wait3A_344 : memref<100000x64xf32, #tpu.memory_space<hbm>>) dst(%dma_wait3A_338 : memref<100x64xf32, #tpu.memory_space<vmem>>)
        %dma_start3A_345 = arith.constant 0 : i32
        %dma_start3A_346 = arith.constant 0 : i32
        %dma_start3A_347 = arith.constant 0 : i32
        %dma_start3A_348 = tpu.memref_slice %arg9[%dma_start3A_346, %dma_start3A_347] : memref<200x64xf32, #tpu.memory_space<vmem>> -> memref<100x64xf32, #tpu.memory_space<vmem>>
        %dma_start3A_349 = arith.constant 0 : i32
        %dma_start3A_350 = tpu.memref_slice %arg8[%dma_start3A_345, %dma_start3A_349] : memref<2x100xi32, #tpu.memory_space<vmem>> -> memref<1x100xi32, #tpu.memory_space<vmem>>
        %dma_start3A_351 = tpu.memref_squeeze %dma_start3A_350 : memref<1x100xi32, #tpu.memory_space<vmem>> -> memref<100xi32, #tpu.memory_space<vmem>>
        %dma_start3A_352 = arith.constant 0 : i32
        %dma_start3A_353 = arith.constant 0 : i32
        %dma_start3A_354 = tpu.memref_slice %arg13[%dma_start3A_352, %dma_start3A_353] : memref<200x64xf32, #tpu.memory_space<vmem_shared>> -> memref<200x64xf32, #tpu.memory_space<vmem_shared>>
        tpu.enqueue_indirect_dma source(%dma_start3A_354 : memref<200x64xf32, #tpu.memory_space<vmem_shared>>) target(%dma_start3A_348 : memref<100x64xf32, #tpu.memory_space<vmem>>) offsets(%dma_start3A_351 : memref<100xi32, #tpu.memory_space<vmem>>) semaphore(%arg18 : memref<!tpu.dma_semaphore, #tpu.memory_space<semaphore_mem>>) {add = true}
        %dma_start3A_355 = arith.constant 1 : i32
        %dma_start3A_356 = arith.constant 100 : i32
        %dma_start3A_357 = arith.constant 0 : i32
        %dma_start3A_358 = tpu.memref_slice %arg9[%dma_start3A_356, %dma_start3A_357] : memref<200x64xf32, #tpu.memory_space<vmem>> -> memref<100x64xf32, #tpu.memory_space<vmem>>
        %dma_start3A_359 = arith.constant 0 : i32
        %dma_start3A_360 = tpu.memref_slice %arg8[%dma_start3A_355, %dma_start3A_359] : memref<2x100xi32, #tpu.memory_space<vmem>> -> memref<1x100xi32, #tpu.memory_space<vmem>>
        %dma_start3A_361 = tpu.memref_squeeze %dma_start3A_360 : memref<1x100xi32, #tpu.memory_space<vmem>> -> memref<100xi32, #tpu.memory_space<vmem>>
        %dma_start3A_362 = arith.constant 0 : i32
        %dma_start3A_363 = arith.constant 0 : i32
        %dma_start3A_364 = tpu.memref_slice %arg13[%dma_start3A_362, %dma_start3A_363] : memref<200x64xf32, #tpu.memory_space<vmem_shared>> -> memref<200x64xf32, #tpu.memory_space<vmem_shared>>
        tpu.enqueue_indirect_dma source(%dma_start3A_364 : memref<200x64xf32, #tpu.memory_space<vmem_shared>>) target(%dma_start3A_358 : memref<100x64xf32, #tpu.memory_space<vmem>>) offsets(%dma_start3A_361 : memref<100xi32, #tpu.memory_space<vmem>>) semaphore(%arg18 : memref<!tpu.dma_semaphore, #tpu.memory_space<semaphore_mem>>) {add = true}
      } else {
      }
      %dma_wait3A_289 = arith.constant 0 : i32
      %dma_wait3A_290 = arith.constant 0 : i32
      %dma_wait3A_291 = arith.constant 0 : i32
      %dma_wait3A_292 = tpu.memref_slice %arg12[%dma_wait3A_290, %dma_wait3A_291] : memref<200x64xf32, #tpu.memory_space<vmem>> -> memref<100x64xf32, #tpu.memory_space<vmem>>
      %dma_wait3A_293 = arith.constant 0 : i32
      %dma_wait3A_294 = tpu.memref_slice %arg8[%dma_wait3A_289, %dma_wait3A_293] : memref<2x100xi32, #tpu.memory_space<vmem>> -> memref<1x100xi32, #tpu.memory_space<vmem>>
      %dma_wait3A_295 = tpu.memref_squeeze %dma_wait3A_294 : memref<1x100xi32, #tpu.memory_space<vmem>> -> memref<100xi32, #tpu.memory_space<vmem>>
      %dma_wait3A_296 = arith.constant 0 : i32
      %dma_wait3A_297 = arith.constant 0 : i32
      %dma_wait3A_298 = tpu.memref_slice %arg13[%dma_wait3A_296, %dma_wait3A_297] : memref<200x64xf32, #tpu.memory_space<vmem_shared>> -> memref<200x64xf32, #tpu.memory_space<vmem_shared>>
      tpu.wait_indirect_dma semaphore(%arg21 : memref<!tpu.dma_semaphore, #tpu.memory_space<semaphore_mem>>) src(%dma_wait3A_298 : memref<200x64xf32, #tpu.memory_space<vmem_shared>>) dst(%dma_wait3A_292 : memref<100x64xf32, #tpu.memory_space<vmem>>)
      %dma_wait3A_299 = arith.constant 1 : i32
      %dma_wait3A_300 = arith.constant 100 : i32
      %dma_wait3A_301 = arith.constant 0 : i32
      %dma_wait3A_302 = tpu.memref_slice %arg12[%dma_wait3A_300, %dma_wait3A_301] : memref<200x64xf32, #tpu.memory_space<vmem>> -> memref<100x64xf32, #tpu.memory_space<vmem>>
      %dma_wait3A_303 = arith.constant 0 : i32
      %dma_wait3A_304 = tpu.memref_slice %arg8[%dma_wait3A_299, %dma_wait3A_303] : memref<2x100xi32, #tpu.memory_space<vmem>> -> memref<1x100xi32, #tpu.memory_space<vmem>>
      %dma_wait3A_305 = tpu.memref_squeeze %dma_wait3A_304 : memref<1x100xi32, #tpu.memory_space<vmem>> -> memref<100xi32, #tpu.memory_space<vmem>>
      %dma_wait3A_306 = arith.constant 0 : i32
      %dma_wait3A_307 = arith.constant 0 : i32
      %dma_wait3A_308 = tpu.memref_slice %arg13[%dma_wait3A_306, %dma_wait3A_307] : memref<200x64xf32, #tpu.memory_space<vmem_shared>> -> memref<200x64xf32, #tpu.memory_space<vmem_shared>>
      tpu.wait_indirect_dma semaphore(%arg21 : memref<!tpu.dma_semaphore, #tpu.memory_space<semaphore_mem>>) src(%dma_wait3A_308 : memref<200x64xf32, #tpu.memory_space<vmem_shared>>) dst(%dma_wait3A_302 : memref<100x64xf32, #tpu.memory_space<vmem>>)
      %add3A_309 = arith.addi %mul3A_2, %add3A_281 : i32
      %dma_start3A_310 = arith.constant 0 : i32
      %dma_start3A_311 = arith.constant 0 : i32
      %dma_start3A_312 = tpu.memref_slice %arg6[%add3A_309, %dma_start3A_310, %dma_start3A_311] : memref<4096x200x64xf32, #tpu.memory_space<hbm>> -> memref<1x200x64xf32, #tpu.memory_space<hbm>>
      %dma_start3A_313 = tpu.memref_squeeze %dma_start3A_312 : memref<1x200x64xf32, #tpu.memory_space<hbm>> -> memref<200x64xf32, #tpu.memory_space<hbm>>
      %dma_start3A_314 = arith.constant 0 : i32
      %dma_start3A_315 = arith.constant 0 : i32
      %dma_start3A_316 = tpu.memref_slice %arg6[%add3A_309, %dma_start3A_314, %dma_start3A_315] : memref<4096x200x64xf32, #tpu.memory_space<hbm>> -> memref<1x200x64xf32, #tpu.memory_space<hbm>>
      %dma_start3A_317 = tpu.memref_squeeze %dma_start3A_316 : memref<1x200x64xf32, #tpu.memory_space<hbm>> -> memref<200x64xf32, #tpu.memory_space<hbm>>
      tpu.enqueue_dma source(%arg12 : memref<200x64xf32, #tpu.memory_space<vmem>>) target(%dma_start3A_317 : memref<200x64xf32, #tpu.memory_space<hbm>>) target_semaphore(%arg25 : memref<!tpu.dma_semaphore, #tpu.memory_space<semaphore_mem>>)
      %add3A_318 = arith.constant 3 : i32
      %add3A_319 = arith.addi %add3A_281, %add3A_318 : i32
      %lt3A_320 = arith.constant 128 : i32
      %lt3A_321 = arith.cmpi slt, %add3A_319, %lt3A_320 : i32
      %convert_element_type3A_322 = arith.extui %lt3A_321 : i1 to i32
      %cond3A_323 = arith.constant 0 : i32
      %cond3A_324 = arith.cmpi ne, %convert_element_type3A_322, %cond3A_323 : i32
      scf.if %cond3A_324 {
        %ge3A = arith.constant 1 : i32
        %ge3A_325 = arith.cmpi sge, %add3A_281, %ge3A : i32
        %convert_element_type3A_326 = arith.extui %ge3A_325 : i1 to i32
        %cond3A_327 = arith.constant 0 : i32
        %cond3A_328 = arith.cmpi ne, %convert_element_type3A_326, %cond3A_327 : i32
        scf.if %cond3A_328 {
          %dma_wait3A_357 = arith.constant 0 : i32
          %dma_wait3A_358 = arith.constant 0 : i32
          %dma_wait3A_359 = tpu.memref_slice %arg6[%mul3A_2, %dma_wait3A_357, %dma_wait3A_358] : memref<4096x200x64xf32, #tpu.memory_space<hbm>> -> memref<1x200x64xf32, #tpu.memory_space<hbm>>
          %dma_wait3A_360 = tpu.memref_squeeze %dma_wait3A_359 : memref<1x200x64xf32, #tpu.memory_space<hbm>> -> memref<200x64xf32, #tpu.memory_space<hbm>>
          %dma_wait3A_361 = arith.constant 0 : i32
          %dma_wait3A_362 = arith.constant 0 : i32
          %dma_wait3A_363 = tpu.memref_slice %arg6[%mul3A_2, %dma_wait3A_361, %dma_wait3A_362] : memref<4096x200x64xf32, #tpu.memory_space<hbm>> -> memref<1x200x64xf32, #tpu.memory_space<hbm>>
          %dma_wait3A_364 = tpu.memref_squeeze %dma_wait3A_363 : memref<1x200x64xf32, #tpu.memory_space<hbm>> -> memref<200x64xf32, #tpu.memory_space<hbm>>
          tpu.wait_dma2 semaphore(%arg24 : memref<!tpu.dma_semaphore, #tpu.memory_space<semaphore_mem>>) src(%arg11 : memref<200x64xf32, #tpu.memory_space<vmem>>) dst(%dma_wait3A_364 : memref<200x64xf32, #tpu.memory_space<hbm>>)
        } else {
        }
        %add3A_329 = arith.constant 3 : i32
        %add3A_330 = arith.addi %add3A_281, %add3A_329 : i32
        %mul3A_331 = arith.constant 2 : i32
        %mul3A_332 = arith.muli %add3A_330, %mul3A_331 : i32
        %add3A_333 = arith.constant 0 : i32
        %add3A_334 = arith.addi %mul3A_332, %add3A_333 : i32
        %dma_start3A_335 = arith.constant 0 : i32
        %dma_start3A_336 = arith.constant 0 : i32
        %dma_start3A_337 = tpu.memref_slice %arg11[%dma_start3A_335, %dma_start3A_336] : memref<200x64xf32, #tpu.memory_space<vmem>> -> memref<100x64xf32, #tpu.memory_space<vmem>>
        %dma_start3A_338 = arith.constant 0 : i32
        %dma_start3A_339 = tpu.memref_slice %arg7[%add3A_334, %dma_start3A_338] : memref<256x100xi32, #tpu.memory_space<vmem>> -> memref<1x100xi32, #tpu.memory_space<vmem>>
        %dma_start3A_340 = tpu.memref_squeeze %dma_start3A_339 : memref<1x100xi32, #tpu.memory_space<vmem>> -> memref<100xi32, #tpu.memory_space<vmem>>
        %dma_start3A_341 = arith.constant 0 : i32
        %dma_start3A_342 = arith.constant 0 : i32
        %dma_start3A_343 = tpu.memref_slice %arg5[%dma_start3A_341, %dma_start3A_342] : memref<100000x64xf32, #tpu.memory_space<hbm>> -> memref<100000x64xf32, #tpu.memory_space<hbm>>
        tpu.enqueue_indirect_dma source(%dma_start3A_343 : memref<100000x64xf32, #tpu.memory_space<hbm>>) target(%dma_start3A_337 : memref<100x64xf32, #tpu.memory_space<vmem>>) offsets(%dma_start3A_340 : memref<100xi32, #tpu.memory_space<vmem>>) semaphore(%arg16 : memref<!tpu.dma_semaphore, #tpu.memory_space<semaphore_mem>>)
        %mul3A_344 = arith.constant 2 : i32
        %mul3A_345 = arith.muli %add3A_330, %mul3A_344 : i32
        %add3A_346 = arith.constant 1 : i32
        %add3A_347 = arith.addi %mul3A_345, %add3A_346 : i32
        %dma_start3A_348 = arith.constant 100 : i32
        %dma_start3A_349 = arith.constant 0 : i32
        %dma_start3A_350 = tpu.memref_slice %arg11[%dma_start3A_348, %dma_start3A_349] : memref<200x64xf32, #tpu.memory_space<vmem>> -> memref<100x64xf32, #tpu.memory_space<vmem>>
        %dma_start3A_351 = arith.constant 0 : i32
        %dma_start3A_352 = tpu.memref_slice %arg7[%add3A_347, %dma_start3A_351] : memref<256x100xi32, #tpu.memory_space<vmem>> -> memref<1x100xi32, #tpu.memory_space<vmem>>
        %dma_start3A_353 = tpu.memref_squeeze %dma_start3A_352 : memref<1x100xi32, #tpu.memory_space<vmem>> -> memref<100xi32, #tpu.memory_space<vmem>>
        %dma_start3A_354 = arith.constant 0 : i32
        %dma_start3A_355 = arith.constant 0 : i32
        %dma_start3A_356 = tpu.memref_slice %arg5[%dma_start3A_354, %dma_start3A_355] : memref<100000x64xf32, #tpu.memory_space<hbm>> -> memref<100000x64xf32, #tpu.memory_space<hbm>>
        tpu.enqueue_indirect_dma source(%dma_start3A_356 : memref<100000x64xf32, #tpu.memory_space<hbm>>) target(%dma_start3A_350 : memref<100x64xf32, #tpu.memory_space<vmem>>) offsets(%dma_start3A_353 : memref<100xi32, #tpu.memory_space<vmem>>) semaphore(%arg16 : memref<!tpu.dma_semaphore, #tpu.memory_space<semaphore_mem>>)
      } else {
      }
    }
    %scan3A_108 = arith.constant 32 : i32
    %dma_wait3A_109 = arith.constant 0 : i32
    %dma_wait3A_110 = arith.constant 0 : i32
    %dma_wait3A_111 = tpu.memref_slice %arg6[%mul3A_2, %dma_wait3A_109, %dma_wait3A_110] : memref<4096x200x64xf32, #tpu.memory_space<hbm>> -> memref<1x200x64xf32, #tpu.memory_space<hbm>>
    %dma_wait3A_112 = tpu.memref_squeeze %dma_wait3A_111 : memref<1x200x64xf32, #tpu.memory_space<hbm>> -> memref<200x64xf32, #tpu.memory_space<hbm>>
    %dma_wait3A_113 = arith.constant 0 : i32
    %dma_wait3A_114 = arith.constant 0 : i32
    %dma_wait3A_115 = tpu.memref_slice %arg6[%mul3A_2, %dma_wait3A_113, %dma_wait3A_114] : memref<4096x200x64xf32, #tpu.memory_space<hbm>> -> memref<1x200x64xf32, #tpu.memory_space<hbm>>
    %dma_wait3A_116 = tpu.memref_squeeze %dma_wait3A_115 : memref<1x200x64xf32, #tpu.memory_space<hbm>> -> memref<200x64xf32, #tpu.memory_space<hbm>>
    tpu.wait_dma2 semaphore(%arg22 : memref<!tpu.dma_semaphore, #tpu.memory_space<semaphore_mem>>) src(%arg9 : memref<200x64xf32, #tpu.memory_space<vmem>>) dst(%dma_wait3A_116 : memref<200x64xf32, #tpu.memory_space<hbm>>)
    %dma_wait3A_117 = arith.constant 0 : i32
    %dma_wait3A_118 = arith.constant 0 : i32
    %dma_wait3A_119 = tpu.memref_slice %arg6[%mul3A_2, %dma_wait3A_117, %dma_wait3A_118] : memref<4096x200x64xf32, #tpu.memory_space<hbm>> -> memref<1x200x64xf32, #tpu.memory_space<hbm>>
    %dma_wait3A_120 = tpu.memref_squeeze %dma_wait3A_119 : memref<1x200x64xf32, #tpu.memory_space<hbm>> -> memref<200x64xf32, #tpu.memory_space<hbm>>
    %dma_wait3A_121 = arith.constant 0 : i32
    %dma_wait3A_122 = arith.constant 0 : i32
    %dma_wait3A_123 = tpu.memref_slice %arg6[%mul3A_2, %dma_wait3A_121, %dma_wait3A_122] : memref<4096x200x64xf32, #tpu.memory_space<hbm>> -> memref<1x200x64xf32, #tpu.memory_space<hbm>>
    %dma_wait3A_124 = tpu.memref_squeeze %dma_wait3A_123 : memref<1x200x64xf32, #tpu.memory_space<hbm>> -> memref<200x64xf32, #tpu.memory_space<hbm>>
    tpu.wait_dma2 semaphore(%arg23 : memref<!tpu.dma_semaphore, #tpu.memory_space<semaphore_mem>>) src(%arg10 : memref<200x64xf32, #tpu.memory_space<vmem>>) dst(%dma_wait3A_124 : memref<200x64xf32, #tpu.memory_space<hbm>>)
    %dma_wait3A_125 = arith.constant 0 : i32
    %dma_wait3A_126 = arith.constant 0 : i32
    %dma_wait3A_127 = tpu.memref_slice %arg6[%mul3A_2, %dma_wait3A_125, %dma_wait3A_126] : memref<4096x200x64xf32, #tpu.memory_space<hbm>> -> memref<1x200x64xf32, #tpu.memory_space<hbm>>
    %dma_wait3A_128 = tpu.memref_squeeze %dma_wait3A_127 : memref<1x200x64xf32, #tpu.memory_space<hbm>> -> memref<200x64xf32, #tpu.memory_space<hbm>>
    %dma_wait3A_129 = arith.constant 0 : i32
    %dma_wait3A_130 = arith.constant 0 : i32
    %dma_wait3A_131 = tpu.memref_slice %arg6[%mul3A_2, %dma_wait3A_129, %dma_wait3A_130] : memref<4096x200x64xf32, #tpu.memory_space<hbm>> -> memref<1x200x64xf32, #tpu.memory_space<hbm>>
    %dma_wait3A_132 = tpu.memref_squeeze %dma_wait3A_131 : memref<1x200x64xf32, #tpu.memory_space<hbm>> -> memref<200x64xf32, #tpu.memory_space<hbm>>
    tpu.wait_dma2 semaphore(%arg24 : memref<!tpu.dma_semaphore, #tpu.memory_space<semaphore_mem>>) src(%arg11 : memref<200x64xf32, #tpu.memory_space<vmem>>) dst(%dma_wait3A_132 : memref<200x64xf32, #tpu.memory_space<hbm>>)
    %dma_wait3A_133 = arith.constant 0 : i32
    %dma_wait3A_134 = arith.constant 0 : i32
    %dma_wait3A_135 = tpu.memref_slice %arg6[%mul3A_2, %dma_wait3A_133, %dma_wait3A_134] : memref<4096x200x64xf32, #tpu.memory_space<hbm>> -> memref<1x200x64xf32, #tpu.memory_space<hbm>>
    %dma_wait3A_136 = tpu.memref_squeeze %dma_wait3A_135 : memref<1x200x64xf32, #tpu.memory_space<hbm>> -> memref<200x64xf32, #tpu.memory_space<hbm>>
    %dma_wait3A_137 = arith.constant 0 : i32
    %dma_wait3A_138 = arith.constant 0 : i32
    %dma_wait3A_139 = tpu.memref_slice %arg6[%mul3A_2, %dma_wait3A_137, %dma_wait3A_138] : memref<4096x200x64xf32, #tpu.memory_space<hbm>> -> memref<1x200x64xf32, #tpu.memory_space<hbm>>
    %dma_wait3A_140 = tpu.memref_squeeze %dma_wait3A_139 : memref<1x200x64xf32, #tpu.memory_space<hbm>> -> memref<200x64xf32, #tpu.memory_space<hbm>>
    tpu.wait_dma2 semaphore(%arg25 : memref<!tpu.dma_semaphore, #tpu.memory_space<semaphore_mem>>) src(%arg12 : memref<200x64xf32, #tpu.memory_space<vmem>>) dst(%dma_wait3A_140 : memref<200x64xf32, #tpu.memory_space<hbm>>)
    return
  }
}

</mosaic_0001>

<sc_bundles>
// kernel: kernel.3.cloned.1.call-start
scs
__scs_entry_jumppad:
0x0: {  	(pc) =	sbr.rel $0x88, $3  }
0x1: {  	(tag) =	ssettag $0x0;
	lr =	simm.s32 $0x1  }
0x2: {  	[smem:$0x3F9E] =	sst lr;
	_ =	strace $0xD0000000  }
0x3: {  	_ = 	snop  }
0x4: {  	_ = 	snop  }
0x5: {  	_ = 	snop  }
0x6: {  	_ = 	snop  }
0x7: {  	_ = 	snop  }
__scs_overlays_trampoline_lowered:
0x8: {  	[smem:$0x3FAD] =	sst s0  }
0x9: {  	[smem:$0x3FAE] =	sst s1  }
0xa: {  	[smem:$0x3FAF] =	sst s2  }
0xb: {  	[smem:$0x3FB0] =	sst s3  }
0xc: {  	[smem:$0x3FB1] =	sst s4  }
0xd: {  	[smem:$0x3FB2] =	sst s5  }
0xe: {  	[smem:$0x3FB3] =	sst s6  }
0xf: {  	[smem:$0x3FB4] =	sst s7  }
0x10: {  	[smem:$0x3FB5] =	sst s8  }
0x11: {  	[smem:$0x3FB6] =	sst s9;
	s0 =	simm.s32 @!p0 $0x0  }
0x12: {  	s1 =	sld [smem:$0x3F9C];
	s0 =	simm.s32 @p0 $0x1  }
0x13: {  	[smem:$0x3FB7] =	sst s0;
	s0 =	simm.s32 @!p1 $0x0  }
0x14: {  	s2 =	sld [smem:$0x3F9B];
	s0 =	simm.s32 @p1 $0x1  }
0x15: {  	[smem:$0x3FB8] =	sst s0;
	s0 =	simm.s32 @!p2 $0x0  }
0x16: {  	s3 =	sld [smem:$0x3FDB];
	s0 =	simm.s32 @p2 $0x1  }
0x17: {  	s4 =	simm.s32 $0x1BF5;
	[smem:$0x3FBA] =	sst s0  }
0x18: {  	s0 =	sld [smem:$0x3F9D];
	_ =	swait.ge [sflag:s4], $0x0  }
0x19: {  	s7 =	sld [smem:$0x3F9E]  }
0x1a: {  	s8 =	sadd.s32 $0xFFFFE003, lr  }
0x1b: {  	s9 =	sadd.s32 $0xFFFFFEF7, lr;
	s5 =	simm.s32 $0xFFFFFFFF;
	p2 =	slt.u32 s8, $0xFFFFF086  }
0x1c: {  	p1 =	slt.u32 s9, $0xF7A;
	s5 =	simm.s32 @!p2 $0x0  }
0x1d: {  	s5 =	simm.s32 @p1 $0x1;
	p0 =	seq.s32 s7, s2  }
0x1e: {  	s7 =	smul.u32 @!p0 $0xF7A, s2;
	p2 =	seq.s32 @!p0 s5, $0x0  }
0x1f: {  	s9 =	smul.u32 $0xF7A, s1;
	s8 =	simm.s32 @!p0 $0x1BF5;
	p2 =	por !p2, p0  }
0x20: {  	[sflag:s8] =	ssyncset.s32 @!p0 $0xFFFFF086;
	s6 =	sadd.s32 @!p0 s3, s7;
	s7 =	simm.s32 @!p0 $0x108  }
0x21: {  	s3 =	sadd.s32 s3, s9;
	s6 =	sadd.s32 @!p0 $0x88, s6;
	s7 =	simm.s32 @p2 $0x1082  }
0x22: {  	[simem:s7], [sflag:s8] =	dma.local @!p0 [hbm:s6], $0xF7A  }
0x23: {  	s9 =	sor.u32 $0xD0000000, s2;
	s6 =	simm.s32 $0x108;
	_ =	swait.ge @!p0 [sflag:s8], $0x0  }
0x24: {  	s3 =	sadd.s32 $0x88, s3;
	s6 =	simm.s32 @!p1 $0x1082;
	[sflag:s4] =	ssyncset.s32 $0xFFFFF086  }
0x25: {  	[simem:s6], [sflag:s4] =	dma.local [hbm:s3], $0xF7A  }
0x26: {  	[smem:$0x3F9E] =	sst s1;
	(tag) =	ssettag s2;
	_ =	strace s9  }
0x27: {  	s1 =	sld [smem:$0x3FAE]  }
0x28: {  	s2 =	sld [smem:$0x3FAF]  }
0x29: {  	s4 =	sld [smem:$0x3FB1]  }
0x2a: {  	p0 =	seq.s32 s5, $0x0;
	s5 =	sld [smem:$0x3FB2]  }
0x2b: {  	s6 =	sld [smem:$0x3FB3]  }
0x2c: {  	s7 =	sld [smem:$0x3FB4]  }
0x2d: {  	s3 =	simm.s32 $0x108;
	s8 =	sld [smem:$0x3FB5]  }
0x2e: {  	s3 =	simm.s32 @!p0 $0x1082;
	s9 =	sld [smem:$0x3FB6]  }
0x2f: {  	lr =	sadd.s32 s0, s3;
	s0 =	sld [smem:$0x3FAD]  }
0x30: {  	s3 =	sld [smem:$0x3FB0]  }
0x31: {  	[smem:$0x3FB9] =	sst s10  }
0x32: {  	s10 =	sld [smem:$0x3FB7];
	_ =	sdelay $0x3  }
0x33: {  	p0 =	seq.s32 s10, $0x1;
	s10 =	sld [smem:$0x3FB9];
	_ =	sdelay $0x3  }
0x34: {  	[smem:$0x3FB9] =	sst s10  }
0x35: {  	s10 =	sld [smem:$0x3FB8];
	_ =	sdelay $0x3  }
0x36: {  	p1 =	seq.s32 s10, $0x1;
	s10 =	sld [smem:$0x3FB9];
	_ =	sdelay $0x3  }
0x37: {  	[smem:$0x3FB9] =	sst s10  }
0x38: {  	s10 =	sld [smem:$0x3FBA]  }
0x39: {  	_ = 	snop;
	(pc) =	sbr.ind lr, $3  }
0x3a: {  	_ = 	snop  }
0x3b: {  	_ = 	snop  }
0x3c: {  	p2 =	seq.s32 s10, $0x1;
	s10 =	sld [smem:$0x3FB9]  }
0x3d: {  	_ =	shalt  }
0x3e: {  	_ =	shalt  }
0x3f: {  	_ =	shalt  }
0x40: {  	_ =	shalt  }
0x41: {  	_ =	shalt  }
0x42: {  	_ =	shalt  }
0x43: {  	_ =	shalt  }
0x44: {  	_ =	shalt  }
0x45: {  	_ =	shalt  }
0x46: {  	_ =	shalt  }
0x47: {  	_ =	shalt  }
0x48: {  	_ =	shalt  }
0x49: {  	_ =	shalt  }
0x4a: {  	_ =	shalt  }
0x4b: {  	_ =	shalt  }
0x4c: {  	_ =	shalt  }
0x4d: {  	_ =	shalt  }
0x4e: {  	_ =	shalt  }
0x4f: {  	_ =	shalt  }
0x50: {  	_ =	shalt  }
0x51: {  	_ =	shalt  }
0x52: {  	_ =	shalt  }
0x53: {  	_ =	shalt  }
0x54: {  	_ =	shalt  }
0x55: {  	_ =	shalt  }
0x56: {  	_ =	shalt  }
0x57: {  	_ =	shalt  }
0x58: {  	_ =	shalt  }
0x59: {  	_ =	shalt  }
0x5a: {  	_ =	shalt  }
0x5b: {  	_ =	shalt  }
0x5c: {  	_ =	shalt  }
0x5d: {  	_ =	shalt  }
0x5e: {  	_ =	shalt  }
0x5f: {  	_ =	shalt  }
0x60: {  	_ =	shalt  }
0x61: {  	_ =	shalt  }
0x62: {  	_ =	shalt  }
0x63: {  	_ =	shalt  }
0x64: {  	_ =	shalt  }
0x65: {  	_ =	shalt  }
0x66: {  	_ =	shalt  }
0x67: {  	_ =	shalt  }
0x68: {  	_ =	shalt  }
0x69: {  	_ =	shalt  }
0x6a: {  	_ =	shalt  }
0x6b: {  	_ =	shalt  }
0x6c: {  	_ =	shalt  }
0x6d: {  	_ =	shalt  }
0x6e: {  	_ =	shalt  }
0x6f: {  	_ =	shalt  }
0x70: {  	_ =	shalt  }
0x71: {  	_ =	shalt  }
0x72: {  	_ =	shalt  }
0x73: {  	_ =	shalt  }
0x74: {  	_ =	shalt  }
0x75: {  	_ =	shalt  }
0x76: {  	_ =	shalt  }
0x77: {  	_ =	shalt  }
0x78: {  	_ =	shalt  }
0x79: {  	_ =	shalt  }
0x7a: {  	_ =	shalt  }
0x7b: {  	_ =	shalt  }
0x7c: {  	_ =	shalt  }
0x7d: {  	_ =	shalt  }
0x7e: {  	_ =	shalt  }
0x7f: {  	_ =	shalt  }
0x80: {  	_ =	shalt  }
0x81: {  	_ =	shalt  }
0x82: {  	_ =	shalt  }
0x83: {  	_ =	shalt  }
0x84: {  	_ =	shalt  }
0x85: {  	_ =	shalt  }
0x86: {  	_ =	shalt  }
0x87: {  	_ =	shalt  }
.Lfunc_end0:
.L_simem_size_0:
called_computation.1_lowered:
.L_overlay_start_0:
0x88: {  	s2 =	sld [smem:$0x3FD9]  }
0x89: {  	s3 =	sld [smem:$0x3FFE];
	_ =	sdelay $0x1  }
0x8a: {  	s1 =	srdreg.scid  }
0x8b: {  	s0 =	sand.u32 $0x1, s1  }
0x8c: {  	s17 =	sshll.u32 s0, $0xA;
	s2 =	sadd.s32 s3, s2  }
0x8d: {  	s2 =	sadd.s32 s2, s17  }
0x8e: {  	[smem:$0x3FC5] =	sst s2  }
0x8f: {  	_ = 	snop  }
0x90: {  	s2 =	sld [smem:$0x3FD0];
	(tm) =	ssettm $0x1  }
0x91: {  	s18 =	sld [smem:$0x3FFB];
	_ =	sdelay $0x3  }
0x92: {  	_ =	strace s18  }
0x93: {  	s3 =	sld [smem:$0x3FFC];
	_ =	sdelay $0x3  }
0x94: {  	_ =	strace s3  }
0x95: {  	s3 =	sld [smem:$0x3FFD];
	_ =	sdelay $0x3  }
0x96: {  	_ =	strace s3  }
0x97: {  	_ =	strace $0x8FFFFFFF  }
0x98: {  	s19 =	sld [smem:$0x3FDB];
	_ =	sdelay $0x1  }
0x99: {  	s4 =	simm.s32 $_scs_section_size  }
0x9a: {  	s5 =	simm.s32 $_size__tile_overlayer_lowered;
	s6 =	simm.s32 $_tile_overlayer_lowered  }
0x9b: {  	s22 =	simm.s32 $0x1BFF;
	s21 =	sshll.u32 s6, $0x1;
	s3 =	sadd.s32 s4, s19  }
0x9c: {  	s7 =	simm.s32 $0x0;
	s20 =	sshll.u32 s5, $0x1;
	s5 =	sadd.s32 s21, s3  }
0x9d: {  	[timem:s7], [sflag:s22] =	dma.local [hbm:s5], s20  }
0x9e: {  	_ =	swait.ge [sflag:s22], s20  }
0x9f: {  	s4 =	ssub.s32 $0x0, s20;
	[sflag:s22] =	ssyncset.done $0x0  }
0xa0: {  	[sflag:s22] =	ssyncadd.s32 s4;
	_ =	sdelay $0x1  }
0xa1: {  	s23 =	simm.s32 $0x1B8B  }
0xa2: {  	_ =	swait.ge [sflag:s23], $0x1  }
0xa3: {  	[sflag:s23] =	ssyncset.done $0x0  }
0xa4: {  	s25 =	simm.s32 $0x1B8E;
	s24 =	sld [smem:$0x3FFE];
	[sflag:s23] =	ssyncadd.s32 $0xFFFFFFFF  }
0xa5: {  	s26 =	simm.s32 $execute0_lowered;
	[smem:$0x3FD2] =	sst s25  }
0xa6: {  	s5 =	sshll.u32 s26, $0x1;
	_ =	strace $0x80000046;
	[dreg:$0x1] =	wrdreg $0xFFFFFFFF  }
0xa7: {  	s28 =	simm.s32 $_size_execute0_lowered;
	s3 =	sadd.s32 s3, s5;
	[dreg:$0x0] =	wrdreg $0x0  }
0xa8: {  	s5 =	sshll.u32 s28, $0x1;
	[dreg:$0x2] =	wrdreg s3  }
0xa9: {  	[dreg:$0x3] =	wrdreg s5  }
0xaa: {  	[dreg:$0x4] =	wrdreg $0xC0  }
0xab: {  	_ =	task [dreg:s7], $0x5FFFF  }
0xac: {  	[dreg:$0x1] =	wrdreg $0xFFFFFFFF  }
0xad: {  	[dreg:$0x0] =	wrdreg $0x60  }
0xae: {  	[dreg:$0x2] =	wrdreg s24  }
0xaf: {  	[dreg:$0x3] =	wrdreg s2  }
0xb0: {  	[dreg:$0x4] =	wrdreg $0x130D00  }
0xb1: {  	[dreg:$0x5] =	wrdreg $0x9  }
0xb2: {  	_ =	task.clear_ibuf [dreg:s7], $0x6FFFF;
	_ =	strace $0x90000046  }
0xb3: {  	s29 =	simm.s32 $0x9;
	_ =	strace $0x80000048  }
0xb4: {  	_ =	swait.ge [sflag:s29], $0x1  }
0xb5: {  	[sflag:s29] =	ssyncadd.s32 $0xFFFFFFFF  }
0xb6: {  	_ =	strace $0x90000048  }
0xb7: {  	_ =	sfence  }
0xb8: {  	s30 =	sld [smem:$0x0];
	_ =	sdelay $0x2  }
0xb9: {  	s31 =	sshll.u32 s1, $0xD;
	s1 =	sshrl.u32 s1, $0x2  }
0xba: {  	s3 =	sand.u32 $0x4000, s31;
	s1 =	sadd.s32 s1, s30  }
0xbb: {  	s0 =	sor.u32 s3, s0;
	s1 =	sshll.u32 s1, $0x11  }
0xbc: {  	s0 =	sor.u32 s1, s0  }
0xbd: {  	s0 =	sadd.s32 $0x8F2B, s0  }
0xbe: {  	[sflag:s0] =	ssyncadd.remote.s32 $0x1  }
0xbf: {  	_ =	sfence.sel $0xFFFF  }
0xc0: {  	[dreg:$0x0] =	wrdreg $0xFFFFFFFF;
	(pc) =	sbr.abs _section_cstart, $3  }
0xc1: {  	[dreg:$0x1] =	wrdreg $0xFFFFFFFF  }
0xc2: {  	_ =	task.clear_ibuf [dreg:s7], $0x2FFFF;
	_ =	strace $0x9FFFFFFF  }
0xc3: {  	(tm) =	ssettm $0x7FFFFFFF  }
tec
execute0_lowered:
.L_overlay_start_1:
0x0: {  	(tag) =	ssettag $0x1  }
0x1: {  	s0 =	rddreg [dreg:$0x0]  }
0x2: {  	s1 =	srdreg.scid;
	s3 =	stileid.u32  }
0x3: {  	s4 =	rddreg [dreg:$0x1];
	s11 =	simm.s32 $0x64;
	s12 =	simm.s32 $0x68D0  }
0x4: {  	s16 =	simm.s32 $0x9AD0;
	s18 =	simm.s32 $0xB3D0;
	s20 =	simm.s32 $0xCCD0  }
0x5: {  	s22 =	simm.s32 $0xE5D0;
	s28 =	simm.s32 $0xFED0;
	s29 =	simm.s32 $0x117D0  }
0x6: {  	s30 =	simm.s32 $0x3;
	s31 =	simm.s32 $0x6;
	s13 =	simm.s32 $0x7  }
0x7: {  	s15 =	simm.s32 $0x8;
	s21 =	simm.s32 $0xB;
	s6 =	sand.u32 $0x1, s1  }
0x8: {  	s2 =	sshll.u32 s3, $0x1;
	s1 =	rddreg [dreg:$0x2];
	s23 =	sadd.s32 $0xA00, s0  }
0x9: {  	s24 =	sadd.s32 $0xC00, s0;
	s9 =	smul.u32 $0x64000, s3;
	s5 =	sor.u32 s6, s2  }
0xa: {  	s2 =	simm.s32 $0x0;
	s8 =	ssub.s32 $0x2, s6;
	s6 =	smul.u32 $0x32000, s6  }
0xb: {  	p0 =	sne.s32 s3, $0x0;
	s5 =	smul.u32 $0xD00, s5;
	[smem:$0x7FF] =	sst s2  }
0xc: {  	s25 =	sshrl.u32 s8, $0x1;
	_ =	strace $0x80000047;
	[dreg:$0x4] =	wrdreg s23  }
0xd: {  	s4 =	sadd.s32 s9, s4;
	s9 =	simm.s32 $0x6800;
	[dreg:$0x5] =	wrdreg s24  }
.Ltmp0:
0xe: {  	s26 =	sadd.s32 s6, s4;
	s24 =	simm.s32 $0x6868;
	(pc) =	sbr.rel .LBB2_1-.Ltmp0, $4  }
0xf: {  	s4 =	simm.s32 $0x0;
	s7 =	sadd.s32 s5, s0;
	s5 =	sadd.s32 $0x1B400, s0  }
0x10: {  	s0 =	ssub.s32 s8, s25;
	[dreg:$0x8] =	wrdreg s26;
	s7 =	sadd.s32 $0x1400, s7  }
0x11: {  	s25 =	simm.s32 $0x2;
	s0 =	smax.u32 s0, $0x1;
	[dreg:$0x6] =	wrdreg s7  }
0x12: {  	s26 =	simm.s32 $0x5;
	[dreg:$0x7] =	wrdreg s0;
	s0 =	simm.s32 $0x4  }
.LBB2_4:
0x13: {  	s3 =	simm.s32 $0x9  }
0x14: {  	_ =	swait.ge [sflag:s3], $0x3200  }
0x15: {  	[sflag:s3] =	ssyncset.done $0x0  }
0x16: {  	s19 =	simm.s32 $0xA;
	[sflag:s3] =	ssyncadd.s32 $0xFFFFCE00  }
0x17: {  	_ =	swait.ge [sflag:s19], $0x3200  }
0x18: {  	[sflag:s19] =	ssyncset.done $0x0  }
0x19: {  	[sflag:s19] =	ssyncadd.s32 $0xFFFFCE00  }
0x1a: {  	_ =	swait.ge [sflag:s21], $0x3200  }
0x1b: {  	[sflag:s21] =	ssyncset.done $0x0  }
0x1c: {  	s6 =	simm.s32 $0xC;
	[sflag:s21] =	ssyncadd.s32 $0xFFFFCE00  }
0x1d: {  	_ =	swait.ge [sflag:s6], $0x3200  }
0x1e: {  	s4 =	sadd.s32 $0x1, s4;
	s23 =	rddreg [dreg:$0x7]  }
0x1f: {  	p1 =	sne.s32 s4, s23  }
.Ltmp1:
0x20: {  	_ = 	snop;
	(pc) =	sbr.rel @!p1 .LBB2_5-.Ltmp1, $3  }
0x21: {  	_ =	sdelay $0x1  }
0x22: {  	[sflag:s6] =	ssyncset.done $0x0  }
0x23: {  	[sflag:s6] =	ssyncadd.s32 $0xFFFFCE00  }
.LBB2_1:
0x24: {  	s6 =	simm.s32 @!p0 $0x0;
	s7 =	simm.s32 @!p0 $0x68D0;
	s3 =	rddreg [dreg:$0x5]  }
0x25: {  	[tilespmem:s7], [sflag:$0xD] =	stream.linear.gather @!p0 [hbm4b:s3+s6], $0x3200, $0x38;
	[tilespmem:$0x133F0] =	vst v63  }
0x26: {  	s6 =	simm.s32 @!p0 $0xD  }
0x27: {  	_ =	swait.ge @!p0 [sflag:s6], $0x3200  }
0x28: {  	[sflag:s6] =	ssyncset.done @!p0 $0x0  }
0x29: {  	[sflag:s6] =	ssyncadd.s32 @!p0 $0xFFFFCE00  }
0x2a: {  	[spmem:s1] =	stream.linear.scatter @!p0 [tilespmem:s7], [sflag:$0xD], $0x3200, $0x38;
	[tilespmem:$0x133F0] =	vst v63  }
0x2b: {  	_ =	swait.ge @!p0 [sflag:s6], $0x3200  }
0x2c: {  	[sflag:s6] =	ssyncset.done @!p0 $0x0  }
0x2d: {  	s19 =	simm.s32 $0xD;
	s17 =	rddreg [dreg:$0x4];
	[sflag:s6] =	ssyncadd.s32 @!p0 $0xFFFFCE00  }
0x2e: {  	[tilespmem:s9], [sflag:$0xD] =	stream.linear.gather [hbm4b:s17+s2], $0xD0, $0x38;
	[tilespmem:$0x133F0] =	vst v63  }
0x2f: {  	_ =	swait.ge [sflag:s19], $0xD0  }
0x30: {  	[sflag:s19] =	ssyncset.done $0x0  }
0x31: {  	s23 =	rddreg [dreg:$0x6];
	[sflag:s19] =	ssyncadd.s32 $0xFFFFFF30  }
0x32: {  	[tilespmem:s2], [sflag:$0xD] =	stream.linear.gather [hbm4b:s23+s2], $0x6800, $0x38;
	[tilespmem:$0x133F0] =	vst v63  }
0x33: {  	_ =	swait.ge [sflag:s19], $0x6800  }
0x34: {  	[sflag:s19] =	ssyncset.done $0x0  }
0x35: {  	[sflag:s19] =	ssyncadd.s32 $0xFFFF9800  }
0x36: {  	[bflag:$0x0] =	sbarrier.arrive $0xFFFF  }
0x37: {  	[tilespmem:s12], [sflag:$0x1] =	stream.indirect.gather [hbm4b:s5+s11], $0x40, s2, s11, $0xb8;
	[tilespmem:$0x133F0] =	vst v63  }
0x38: {  	s8 =	simm.s32 $0x81D0;
	s7 =	simm.s32 $0x68  }
0x39: {  	[tilespmem:s8], [sflag:$0x1] =	stream.indirect.gather [hbm4b:s5+s11], $0x40, s7, s11, $0xb8;
	[tilespmem:$0x133F0] =	vst v63  }
0x3a: {  	s10 =	simm.s32 $0xD0  }
0x3b: {  	[tilespmem:s16], [sflag:$0x2] =	stream.indirect.gather [hbm4b:s5+s11], $0x40, s10, s11, $0xb8;
	[tilespmem:$0x133F0] =	vst v63  }
0x3c: {  	s14 =	simm.s32 $0x138  }
0x3d: {  	[tilespmem:s18], [sflag:$0x2] =	stream.indirect.gather [hbm4b:s5+s11], $0x40, s14, s11, $0xb8;
	[tilespmem:$0x133F0] =	vst v63  }
0x3e: {  	s17 =	simm.s32 $0x1A0  }
0x3f: {  	[tilespmem:s20], [sflag:$0x3] =	stream.indirect.gather [hbm4b:s5+s11], $0x40, s17, s11, $0xb8;
	[tilespmem:$0x133F0] =	vst v63  }
0x40: {  	s23 =	simm.s32 $0x1;
	s19 =	simm.s32 $0x208  }
0x41: {  	[tilespmem:s22], [sflag:$0x3] =	stream.indirect.gather [hbm4b:s5+s11], $0x40, s19, s11, $0xb8;
	[tilespmem:$0x133F0] =	vst v63  }
0x42: {  	_ =	swait.ge [sflag:s23], $0x1900  }
0x43: {  	[sflag:s23] =	ssyncset.done $0x0  }
0x44: {  	[sflag:s23] =	ssyncadd.s32 $0xFFFFE700  }
0x45: {  	_ =	swait.ge [sflag:s23], $0x1900  }
0x46: {  	[sflag:s23] =	ssyncset.done $0x0  }
0x47: {  	[sflag:s23] =	ssyncadd.s32 $0xFFFFE700  }
0x48: {  	[tilespmem:s12], [sflag:$0x5] =	stream.indirect.gather.add.f32 [spmem:s1], $0x40, s9, s11, $0xb8;
	[tilespmem:$0x133F0] =	vst v63  }
0x49: {  	_ = 	snop  }
0x4a: {  	[tilespmem:s8], [sflag:$0x5] =	stream.indirect.gather.add.f32 [spmem:s1], $0x40, s24, s11, $0xb8;
	[tilespmem:$0x133F0] =	vst v63  }
0x4b: {  	s7 =	simm.s32 $0x0;
	s8 =	rddreg [dreg:$0x8]  }
.LBB2_2:
0x4c: {  	_ =	swait.ge [sflag:s25], $0x1900  }
0x4d: {  	[sflag:s25] =	ssyncset.done $0x0  }
0x4e: {  	[sflag:s25] =	ssyncadd.s32 $0xFFFFE700  }
0x4f: {  	_ =	swait.ge [sflag:s25], $0x1900  }
0x50: {  	[sflag:s25] =	ssyncset.done $0x0  }
0x51: {  	[sflag:s25] =	ssyncadd.s32 $0xFFFFE700  }
0x52: {  	[tilespmem:s16], [sflag:$0x6] =	stream.indirect.gather.add.f32 [spmem:s1], $0x40, s9, s11, $0xb8;
	[tilespmem:$0x133F0] =	vst v63  }
0x53: {  	_ = 	snop  }
0x54: {  	[tilespmem:s18], [sflag:$0x6] =	stream.indirect.gather.add.f32 [spmem:s1], $0x40, s24, s11, $0xb8;
	[tilespmem:$0x133F0] =	vst v63  }
0x55: {  	_ =	swait.ge [sflag:s26], $0x1900  }
0x56: {  	[sflag:s26] =	ssyncset.done $0x0  }
0x57: {  	[sflag:s26] =	ssyncadd.s32 $0xFFFFE700  }
0x58: {  	_ =	swait.ge [sflag:s26], $0x1900  }
0x59: {  	p1 =	seq.s32 s7, $0x0;
	[sflag:s26] =	ssyncset.done $0x0  }
0x5a: {  	s14 =	simm.s32 @!p1 $0xC;
	[sflag:s26] =	ssyncadd.s32 $0xFFFFE700  }
0x5b: {  	[hbm4b:s8+s2] =	stream.linear.scatter [tilespmem:s12], [sflag:$0x9], $0x3200, $0x38;
	[tilespmem:$0x133F0] =	vst v63  }
0x5c: {  	_ =	swait.ge @!p1 [sflag:s14], $0x3200  }
0x5d: {  	s6 =	sshra.s32 s7, $0x2;
	[sflag:s14] =	ssyncset.done @!p1 $0x0  }
0x5e: {  	s10 =	sadd.s32 $0x270, s6;
	[sflag:s14] =	ssyncadd.s32 @!p1 $0xFFFFCE00  }
0x5f: {  	[tilespmem:s28], [sflag:$0x4] =	stream.indirect.gather [hbm4b:s5+s11], $0x40, s10, s11, $0xb8;
	[tilespmem:$0x133F0] =	vst v63  }
0x60: {  	s17 =	sadd.s32 $0x2D8, s6  }
0x61: {  	[tilespmem:s29], [sflag:$0x4] =	stream.indirect.gather [hbm4b:s5+s11], $0x40, s17, s11, $0xb8;
	[tilespmem:$0x133F0] =	vst v63  }
0x62: {  	_ =	swait.ge [sflag:s30], $0x1900  }
0x63: {  	[sflag:s30] =	ssyncset.done $0x0  }
0x64: {  	[sflag:s30] =	ssyncadd.s32 $0xFFFFE700  }
0x65: {  	_ =	swait.ge [sflag:s30], $0x1900  }
0x66: {  	[sflag:s30] =	ssyncset.done $0x0  }
0x67: {  	[sflag:s30] =	ssyncadd.s32 $0xFFFFE700  }
0x68: {  	[tilespmem:s20], [sflag:$0x7] =	stream.indirect.gather.add.f32 [spmem:s1], $0x40, s9, s11, $0xb8;
	[tilespmem:$0x133F0] =	vst v63  }
0x69: {  	_ = 	snop  }
0x6a: {  	[tilespmem:s22], [sflag:$0x7] =	stream.indirect.gather.add.f32 [spmem:s1], $0x40, s24, s11, $0xb8;
	[tilespmem:$0x133F0] =	vst v63  }
0x6b: {  	_ =	swait.ge [sflag:s31], $0x1900  }
0x6c: {  	[sflag:s31] =	ssyncset.done $0x0  }
0x6d: {  	[sflag:s31] =	ssyncadd.s32 $0xFFFFE700  }
0x6e: {  	_ =	swait.ge [sflag:s31], $0x1900  }
0x6f: {  	p1 =	seq.s32 s7, $0x19300;
	[sflag:s31] =	ssyncset.done $0x0  }
0x70: {  	s19 =	sadd.s32 $0x640, s8;
	s14 =	simm.s32 @!p1 $0x9;
	[sflag:s31] =	ssyncadd.s32 $0xFFFFE700  }
0x71: {  	[hbm4b:s19+s2] =	stream.linear.scatter [tilespmem:s16], [sflag:$0xA], $0x3200, $0x38;
	[tilespmem:$0x133F0] =	vst v63  }
0x72: {  	_ =	swait.ge @!p1 [sflag:s14], $0x3200  }
0x73: {  	[sflag:s14] =	ssyncset.done @!p1 $0x0  }
0x74: {  	[sflag:s14] =	ssyncadd.s32 @!p1 $0xFFFFCE00;
	s14 =	sshra.s32 @!p1 s7, $0x2  }
0x75: {  	s3 =	simm.s32 @!p1 $0x68D0;
	s19 =	simm.s32 @!p1 $0x64;
	s17 =	sadd.s32 @!p1 $0x340, s14  }
0x76: {  	[tilespmem:s3], [sflag:$0x1] =	stream.indirect.gather @!p1 [hbm4b:s5+s19], $0x40, s17, s19, $0xb8;
	[tilespmem:$0x133F0] =	vst v63  }
0x77: {  	s10 =	simm.s32 @!p1 $0x81D0;
	s17 =	sadd.s32 @!p1 $0x3A8, s14  }
0x78: {  	[tilespmem:s10], [sflag:$0x1] =	stream.indirect.gather @!p1 [hbm4b:s5+s19], $0x40, s17, s19, $0xb8;
	[tilespmem:$0x133F0] =	vst v63  }
0x79: {  	_ =	swait.ge [sflag:s0], $0x1900  }
0x7a: {  	[sflag:s0] =	ssyncset.done $0x0  }
0x7b: {  	[sflag:s0] =	ssyncadd.s32 $0xFFFFE700  }
0x7c: {  	_ =	swait.ge [sflag:s0], $0x1900  }
0x7d: {  	[sflag:s0] =	ssyncset.done $0x0  }
0x7e: {  	[sflag:s0] =	ssyncadd.s32 $0xFFFFE700  }
0x7f: {  	[tilespmem:s28], [sflag:$0x8] =	stream.indirect.gather.add.f32 [spmem:s1], $0x40, s9, s11, $0xb8;
	[tilespmem:$0x133F0] =	vst v63  }
0x80: {  	_ = 	snop  }
0x81: {  	[tilespmem:s29], [sflag:$0x8] =	stream.indirect.gather.add.f32 [spmem:s1], $0x40, s24, s11, $0xb8;
	[tilespmem:$0x133F0] =	vst v63  }
0x82: {  	_ =	swait.ge [sflag:s13], $0x1900  }
0x83: {  	[sflag:s13] =	ssyncset.done $0x0  }
0x84: {  	[sflag:s13] =	ssyncadd.s32 $0xFFFFE700  }
0x85: {  	_ =	swait.ge [sflag:s13], $0x1900  }
0x86: {  	[sflag:s13] =	ssyncset.done $0x0  }
0x87: {  	s23 =	sadd.s32 $0xC80, s8;
	s17 =	simm.s32 @!p1 $0xA;
	[sflag:s13] =	ssyncadd.s32 $0xFFFFE700  }
0x88: {  	[hbm4b:s23+s2] =	stream.linear.scatter [tilespmem:s20], [sflag:$0xB], $0x3200, $0x38;
	[tilespmem:$0x133F0] =	vst v63  }
0x89: {  	_ =	swait.ge @!p1 [sflag:s17], $0x3200  }
0x8a: {  	[sflag:s17] =	ssyncset.done @!p1 $0x0  }
0x8b: {  	s23 =	simm.s32 @!p1 $0x9AD0;
	[sflag:s17] =	ssyncadd.s32 @!p1 $0xFFFFCE00;
	s17 =	sadd.s32 @!p1 $0x410, s14  }
0x8c: {  	[tilespmem:s23], [sflag:$0x2] =	stream.indirect.gather @!p1 [hbm4b:s5+s19], $0x40, s17, s19, $0xb8;
	[tilespmem:$0x133F0] =	vst v63  }
0x8d: {  	s14 =	sadd.s32 @!p1 $0x478, s14;
	s17 =	simm.s32 @!p1 $0xB3D0  }
0x8e: {  	[tilespmem:s17], [sflag:$0x2] =	stream.indirect.gather @!p1 [hbm4b:s5+s19], $0x40, s14, s19, $0xb8;
	[tilespmem:$0x133F0] =	vst v63  }
0x8f: {  	s14 =	simm.s32 @!p1 $0x1  }
0x90: {  	_ =	swait.ge @!p1 [sflag:s14], $0x1900  }
0x91: {  	[sflag:s14] =	ssyncset.done @!p1 $0x0  }
0x92: {  	[sflag:s14] =	ssyncadd.s32 @!p1 $0xFFFFE700  }
0x93: {  	_ =	swait.ge @!p1 [sflag:s14], $0x1900  }
0x94: {  	[sflag:s14] =	ssyncset.done @!p1 $0x0  }
0x95: {  	[sflag:s14] =	ssyncadd.s32 @!p1 $0xFFFFE700;
	s14 =	simm.s32 @!p1 $0x6800  }
0x96: {  	[tilespmem:s3], [sflag:$0x5] =	stream.indirect.gather.add.f32 @!p1 [spmem:s1], $0x40, s14, s19, $0xb8;
	[tilespmem:$0x133F0] =	vst v63  }
0x97: {  	s3 =	simm.s32 @!p1 $0x6868  }
0x98: {  	[tilespmem:s10], [sflag:$0x5] =	stream.indirect.gather.add.f32 @!p1 [spmem:s1], $0x40, s3, s19, $0xb8;
	[tilespmem:$0x133F0] =	vst v63  }
0x99: {  	_ =	swait.ge [sflag:s15], $0x1900  }
0x9a: {  	[sflag:s15] =	ssyncset.done $0x0  }
.Ltmp2:
0x9b: {  	[sflag:s15] =	ssyncadd.s32 $0xFFFFE700;
	(pc) =	sbr.rel @p1 .LBB2_4-.Ltmp2, $4  }
0x9c: {  	_ =	swait.ge [sflag:s15], $0x1900  }
0x9d: {  	[sflag:s15] =	ssyncset.done $0x0  }
0x9e: {  	s23 =	sadd.s32 $0x12C0, s8;
	[sflag:s15] =	ssyncadd.s32 $0xFFFFE700  }
0x9f: {  	[hbm4b:s23+s2] =	stream.linear.scatter [tilespmem:s28], [sflag:$0xC], $0x3200, $0x38;
	[tilespmem:$0x133F0] =	vst v63  }
0xa0: {  	_ =	swait.ge [sflag:s21], $0x3200  }
.Ltmp3:
0xa1: {  	[sflag:s21] =	ssyncset.done $0x0;
	(pc) =	sbr.rel .LBB2_2-.Ltmp3, $4  }
0xa2: {  	s3 =	sadd.s32 $0x4E0, s6;
	[sflag:s21] =	ssyncadd.s32 $0xFFFFCE00  }
0xa3: {  	[tilespmem:s20], [sflag:$0x3] =	stream.indirect.gather [hbm4b:s5+s11], $0x40, s3, s11, $0xb8;
	[tilespmem:$0x133F0] =	vst v63  }
0xa4: {  	s23 =	sadd.s32 $0x548, s6;
	s7 =	sadd.s32 $0xD00, s7;
	s8 =	sadd.s32 $0x1900, s8  }
0xa5: {  	[tilespmem:s22], [sflag:$0x3] =	stream.indirect.gather [hbm4b:s5+s11], $0x40, s23, s11, $0xb8;
	[tilespmem:$0x133F0] =	vst v63  }
.LBB2_5:
0xa6: {  	_ =	sfence.sel $0x180000  }
0xa7: {  	[bflag:$0x0] =	sbarrier.arrive $0xFFFF  }
0xa8: {  	_ =	strace $0x90000047  }
0xa9: {  	[bflag:$0x2] =	sbarrier.arrive $0xFFFF  }
0xaa: {  	s0 =	rddreg [dreg:$0x3]  }
0xab: {  	s0 =	sadd.s32 @!p0 $0x100000, s0  }
0xac: {  	[sflag:s0] =	ssyncadd.tile.s32 @!p0 $0x1;
	_ =	shalt  }
.Lfunc_end2:
_tile_overlayer_lowered:
.L_overlay_start_2:
0xad: {  	(tag) =	ssettag $0x2  }
0xae: {  	s0 =	rddreg [dreg:$0x0];
	s2 =	stileid.u32  }
0xaf: {  	s1 =	rddreg [dreg:$0x1];
	p0 =	sne.s32 s2, $0x0  }
0xb0: {  	s3 =	rddreg [dreg:$0x2];
	[bflag:$0x3] =	sbarrier.arrive $0xFFFF;
	s2 =	simm.s32 @!p0 $0x1C0D  }
0xb1: {  	[timem:s3], [sflag:s2] =	dma.local @!p0 [hbm:s0], s1  }
0xb2: {  	s0 =	simm.s32 @!p0 $0xD  }
0xb3: {  	_ =	swait.ge @!p0 [sflag:s0], s1  }
0xb4: {  	s1 =	ssub.s32 @!p0 $0x0, s1;
	[sflag:s0] =	ssyncset.done @!p0 $0x0  }
0xb5: {  	[sflag:s0] =	ssyncadd.s32 @!p0 s1  }
0xb6: {  	[bflag:$0x3] =	sbarrier.arrive $0xFFFF  }
0xb7: {  	_ =	shalt  }

// kernel: sparse-core-data-format-call.cloned.1.call-start
scs
called_computation_lowered:
.L_overlay_start_0:
0x0: {  	s2 =	sld [smem:$0x3FD9]  }
0x1: {  	s3 =	sld [smem:$0x3FFE];
	_ =	sdelay $0x1  }
0x2: {  	s1 =	srdreg.scid  }
0x3: {  	s0 =	sand.u32 $0x1, s1  }
0x4: {  	s18 =	sshll.u32 s0, $0xA;
	s2 =	sadd.s32 s3, s2  }
0x5: {  	s2 =	sadd.s32 s2, s18  }
0x6: {  	[smem:$0x3FC5] =	sst s2  }
0x7: {  	_ = 	snop  }
0x8: {  	s2 =	sld [smem:$0x3FD0];
	(tm) =	ssettm $0x1  }
0x9: {  	s19 =	sld [smem:$0x3FFB];
	_ =	sdelay $0x3  }
0xa: {  	_ =	strace s19  }
0xb: {  	s3 =	sld [smem:$0x3FFC];
	_ =	sdelay $0x3  }
0xc: {  	_ =	strace s3  }
0xd: {  	s3 =	sld [smem:$0x3FFD];
	_ =	sdelay $0x3  }
0xe: {  	_ =	strace s3  }
0xf: {  	_ =	strace $0x8FFFFFFF  }
0x10: {  	s20 =	sld [smem:$0x3FDB];
	_ =	sdelay $0x1  }
0x11: {  	s4 =	simm.s32 $_scs_section_size  }
0x12: {  	s5 =	simm.s32 $_size__tile_overlayer_lowered;
	s6 =	simm.s32 $_tile_overlayer_lowered  }
0x13: {  	s23 =	simm.s32 $0x1BFF;
	s22 =	sshll.u32 s6, $0x1;
	s3 =	sadd.s32 s4, s20  }
0x14: {  	s7 =	simm.s32 $0x0;
	s21 =	sshll.u32 s5, $0x1;
	s5 =	sadd.s32 s22, s3  }
0x15: {  	[timem:s7], [sflag:s23] =	dma.local [hbm:s5], s21  }
0x16: {  	_ =	swait.ge [sflag:s23], s21  }
0x17: {  	s4 =	ssub.s32 $0x0, s21;
	[sflag:s23] =	ssyncset.done $0x0  }
0x18: {  	[sflag:s23] =	ssyncadd.s32 s4;
	_ =	sdelay $0x1  }
0x19: {  	s24 =	simm.s32 $0x1B8B  }
0x1a: {  	_ =	swait.ge [sflag:s24], $0x1  }
0x1b: {  	[sflag:s24] =	ssyncset.done $0x0  }
0x1c: {  	s26 =	simm.s32 $0x1B8E;
	s25 =	sld [smem:$0x3FFE];
	[sflag:s24] =	ssyncadd.s32 $0xFFFFFFFF  }
0x1d: {  	s27 =	simm.s32 $execute0_lowered;
	[smem:$0x3FD2] =	sst s26  }
0x1e: {  	s5 =	sshll.u32 s27, $0x1;
	_ =	strace $0x80000049;
	[dreg:$0x1] =	wrdreg $0xFFFFFFFF  }
0x1f: {  	s28 =	simm.s32 $_size_execute0_lowered;
	s3 =	sadd.s32 s3, s5;
	[dreg:$0x0] =	wrdreg $0x0  }
0x20: {  	s5 =	sshll.u32 s28, $0x1;
	[dreg:$0x2] =	wrdreg s3  }
0x21: {  	[dreg:$0x3] =	wrdreg s5  }
0x22: {  	[dreg:$0x4] =	wrdreg $0xC0  }
0x23: {  	_ =	task [dreg:s7], $0x5FFFF  }
0x24: {  	[dreg:$0x1] =	wrdreg $0xFFFFFFFF  }
0x25: {  	[dreg:$0x0] =	wrdreg $0x60  }
0x26: {  	[dreg:$0x2] =	wrdreg s25  }
0x27: {  	[dreg:$0x3] =	wrdreg s2  }
0x28: {  	[dreg:$0x4] =	wrdreg $0x9  }
0x29: {  	_ =	task.clear_ibuf [dreg:s7], $0x5FFFF;
	_ =	strace $0x90000049  }
0x2a: {  	s29 =	simm.s32 $0x9;
	_ =	strace $0x8000004B  }
0x2b: {  	_ =	swait.ge [sflag:s29], $0x1  }
0x2c: {  	[sflag:s29] =	ssyncadd.s32 $0xFFFFFFFF  }
0x2d: {  	_ =	strace $0x9000004B  }
0x2e: {  	_ =	sfence  }
0x2f: {  	s30 =	sld [smem:$0x0];
	_ =	sdelay $0x2  }
0x30: {  	s31 =	sshll.u32 s1, $0xD;
	s1 =	sshrl.u32 s1, $0x2  }
0x31: {  	s3 =	sand.u32 $0x4000, s31;
	s1 =	sadd.s32 s1, s30  }
0x32: {  	s0 =	sor.u32 s3, s0;
	s1 =	sshll.u32 s1, $0x11  }
0x33: {  	s0 =	sor.u32 s1, s0  }
0x34: {  	s0 =	sadd.s32 $0x8F2B, s0  }
0x35: {  	[sflag:s0] =	ssyncadd.remote.s32 $0x1  }
0x36: {  	_ =	sfence.sel $0xFFFF  }
0x37: {  	[dreg:$0x0] =	wrdreg $0xFFFFFFFF;
	(pc) =	sbr.abs _section_cstart, $3  }
0x38: {  	[dreg:$0x1] =	wrdreg $0xFFFFFFFF  }
0x39: {  	_ =	task.clear_ibuf [dreg:s7], $0x2FFFF;
	_ =	strace $0x9FFFFFFF  }
0x3a: {  	(tm) =	ssettm $0x7FFFFFFF  }
0x3b: {  	_ =	shalt  }
tec
execute0_lowered:
.L_overlay_start_1:
0x0: {  	(tag) =	ssettag $0x1  }
0x1: {  	s0 =	srdreg.scid  }
0x2: {  	s1 =	sshll.u32 s0, $0x4  }
0x3: {  	s0 =	stileid.u32;
	s1 =	sand.u32 $0x10, s1  }
0x4: {  	s1 =	sor.u32 s0, s1  }
0x5: {  	s6 =	rddreg [dreg:$0x0];
	s4 =	simm.s32 $0x1;
	s2 =	sshll.u32 s1, $0x7  }
0x6: {  	s7 =	simm.s32 $0x2;
	s12 =	simm.s32 $0x0;
	s1 =	ssub.s32 $0x1000, s2  }
0x7: {  	s8 =	simm.s32 $0x8000;
	s13 =	simm.s32 $0x0;
	s3 =	sand.u32 $0xF80, s1  }
0x8: {  	s9 =	simm.s32 $0x0;
	s5 =	sshrl.u32 s1, $0xC;
	p0 =	sne.s32 s3, $0x0  }
.Ltmp0:
0x9: {  	s1 =	rddreg [dreg:$0x2];
	s4 =	simm.s32 @!p0 $0x0;
	(pc) =	sbr.rel .LBB1_1-.Ltmp0, $4  }
0xa: {  	s11 =	simm.s32 $0x0;
	s3 =	rddreg [dreg:$0x1];
	s5 =	sadd.s32 s4, s5  }
0xb: {  	_ =	strace $0x8000004A;
	s4 =	simm.s32 $0x1;
	s5 =	smul.u32 $0xC8, s5  }
0xc: {  	s6 =	sadd.s32 $0xA00, s6;
	s10 =	smov.u32 s2;
	[sflag:s4] =	ssyncpa.u1 $0x0  }
0xd: {  	p0 =	por $0x0, $0x0;
	[sflag:s7] =	ssyncpa.u1 $0x0;
	s7 =	sor.u32 $0x1, s5  }
.LBB1_4:
0xe: {  	s16 =	sshll.u32 s13, $0x3;
	s17 =	sand.u32 $0x78, s13  }
0xf: {  	s30 =	sand.u32 $0x7E00, s13;
	s12 =	sshll.u32 s12, $0xF;
	s16 =	sand.u32 $0xC00, s16  }
0x10: {  	[tilespmem:s15+$0x810 ss:$0x81] =	vst.msk $0xffff, v2;
	s31 =	sand.u32 $0x7, s13;
	s16 =	sor.u32 s17, s16;
	s17 =	sadd.s32 s3, s30  }
0x11: {  	[tilespmem:s15+$0x1020 ss:$0x81] =	vst.msk $0xffff, v0;
	s13 =	sshll.u32 s31, $0x12;
	s12 =	sadd.s32 s12, s17;
	s16 =	sshrl.u32 s16, $0x3  }
0x12: {  	[tilespmem:s15+$0x0 ss:$0x81] =	vst.msk $0xffff, v1;
	s13 =	sor.u32 $0x400, s13;
	s12 =	sadd.s32 s16, s12  }
0x13: {  	[hbm4b:s12+s13] =	stream.strided.scatter [tilespmem:s14], [sflag:$0x2], $0x2000, s8, s13, $0x20;
	[tilespmem:$0x8080] =	vst v63  }
.LBB1_5:
0x14: {  	s14 =	sadd.s32 $0x1, s9  }
0x15: {  	s12 =	sadd.s32 $0x1000, s10;
	s16 =	smov.u32 s10;
	p2 =	sgt.s32 s14, $0xC7  }
0x16: {  	s16 =	smov.u32 @p2 s12  }
0x17: {  	s14 =	simm.s32 @p2 $0x0;
	p2 =	sgt.s32 s16, $0xFFF  }
0x18: {  	s16 =	smov.u32 @p2 s2;
	p2 =	sne.s32 s11, s7  }
.Ltmp1:
0x19: {  	p1 =	slt.u32 s11, $0x2;
	(pc) =	sbr.rel @!p2 .LBB1_6-.Ltmp1, $4  }
0x1a: {  	s15 =	simm.s32 @!p1 $0x2  }
0x1b: {  	s13 =	smov.u32 s10;
	p0 =	por !p0, !p0;
	_ =	swait.ge @!p1 [sflag:s15], $0x2000  }
0x1c: {  	s12 =	smov.u32 s9;
	[sflag:s15] =	ssyncset.done @!p1 $0x0;
	s9 =	smov.u32 s14  }
0x1d: {  	s11 =	sadd.s32 $0x1, s11;
	[sflag:s15] =	ssyncadd.s32 @!p1 $0xFFFFE000;
	s10 =	smov.u32 s16  }
.LBB1_1:
0x1e: {  	p1 =	sge.u32 s11, s5  }
0x1f: {  	s14 =	sand.u32 @!p1 $0x1FFFFFF, s9  }
0x20: {  	s15 =	smulhi.u32 @!p1 $0x147AE15, s14;
	_ =	sdelay $0x1  }
0x21: {  	s15 =	smul.u32 @!p1 $0xC8, s15  }
0x22: {  	s16 =	sxor.u32 @!p1 $0xFFFFFFFF, s11;
	s17 =	smul.u32 @!p1 $0xC80, s10  }
0x23: {  	s31 =	sadd.s32 $0xFFFFFFFF, s11;
	s16 =	sshll.u32 @!p1 s16, $0xD;
	s14 =	ssub.s32 @!p1 s14, s15  }
0x24: {  	s15 =	sand.u32 @!p1 $0x2000, s16;
	s16 =	sadd.s32 @!p1 s6, s17;
	s14 =	sshll.u32 @!p1 s14, $0x4  }
0x25: {  	s17 =	simm.s32 @!p1 $0x6400;
	s14 =	sadd.s32 @!p1 s14, s16;
	s16 =	simm.s32 @!p1 $0x40  }
0x26: {  	[tilespmem:s15], [sflag:$0x1] =	stream.strided.gather @!p1 [hbm4b:s14+s16], $0x2000, s17, s16, $0x38;
	[tilespmem:$0x8080] =	vst v63  }
0x27: {  	p1 =	sge.u32 s31, s5  }
.Ltmp2:
0x28: {  	_ = 	snop;
	(pc) =	sbr.rel @p1 .LBB1_5-.Ltmp2, $1  }
0x29: {  	_ =	sdelay $0x3  }
0x2a: {  	s14 =	simm.s32 $0x1  }
0x2b: {  	_ =	swait.ge [sflag:s4], $0x2000;
	s14 =	simm.s32 @!p0 $0x0  }
0x2c: {  	[sflag:s4] =	ssyncset.done $0x0;
	s15 =	sshll.u32 s14, $0xD  }
0x2d: {  	[sflag:s4] =	ssyncadd.s32 $0xFFFFE000;
	s18 =	sor.u32 $0x20, s15  }
0x2e: {  	s14 =	smul.u32 $0x8100, s14;
	v3 =	vld [tilespmem:s18+$0x10]  }
0x2f: {  	s30 =	sand.u32 $0x1, s11;
	v2 =	vld [tilespmem:s18+$0xFFFFFFF0]  }
0x30: {  	s15 =	smul.u32 $0x8100, s30;
	s14 =	sshrl.u32 s14, $0x2;
	v0 =	vld [tilespmem:s18+$0x0]  }
0x31: {  	v1 =	vld [tilespmem:s18+$0xFFFFFFE0];
	s16 =	sor.u32 $0x4000, s14  }
0x32: {  	s31 =	sshrl.u32 s15, $0x2;
	s15 =	sadd.s32 $0x0, s16  }
0x33: {  	s17 =	simm.s32 $0x4;
	s18 =	sadd.s32 $0x40, s18;
	s14 =	sor.u32 $0x4000, s31;
	[tilespmem:s15+$0x1830 ss:$0x81] =	vst.msk $0xffff, v3  }
.LBB1_3:
0x34: {  	v3 =	vld [tilespmem:s18+$0x10];
	p1 =	sne.s32 s17, $0x1FC;
	[tilespmem:s15+$0x810 ss:$0x81] =	vst.msk $0xffff, v2;
	s19 =	smov.u32 s17;
	s17 =	sadd.s32 $0x4, s17  }
.Ltmp3:
0x35: {  	v2 =	vld [tilespmem:s18+$0xFFFFFFF0];
	[tilespmem:s15+$0x1020 ss:$0x81] =	vst.msk $0xffff, v0;
	(pc) =	sbr.rel @p1 .LBB1_3-.Ltmp3, $4  }
0x36: {  	v0 =	vld [tilespmem:s18+$0x0];
	[tilespmem:s15+$0x0 ss:$0x81] =	vst.msk $0xffff, v1  }
0x37: {  	s15 =	sshra.s32 s19, $0x2;
	v1 =	vld [tilespmem:s18+$0xFFFFFFE0]  }
0x38: {  	s15 =	sadd.s32 s15, s16  }
0x39: {  	s18 =	sadd.s32 $0x40, s18;
	[tilespmem:s15+$0x1830 ss:$0x81] =	vst.msk $0xffff, v3  }
.Ltmp4:
0x3a: {  	_ = 	snop;
	(pc) =	sbr.rel .LBB1_4-.Ltmp4, $1  }
0x3b: {  	_ =	sdelay $0x3  }
.LBB1_6:
0x3c: {  	_ =	sfence.sel $0x180000  }
0x3d: {  	s2 =	simm.s32 $0x1;
	[bflag:$0x0] =	sbarrier.arrive $0xFFFF  }
0x3e: {  	s31 =	simm.s32 $0x2;
	[sflag:s2] =	ssyncpa.u1 $0x1  }
0x3f: {  	[sflag:s31] =	ssyncpa.u1 $0x1  }
0x40: {  	p0 =	sne.s32 s0, $0x0;
	_ =	strace $0x9000004A  }
0x41: {  	s0 =	sadd.s32 @!p0 $0x100000, s1;
	[bflag:$0x2] =	sbarrier.arrive $0xFFFF  }
0x42: {  	[sflag:s0] =	ssyncadd.tile.s32 @!p0 $0x1;
	_ =	shalt  }
.Lfunc_end1:
_tile_overlayer_lowered:
.L_overlay_start_2:
0x43: {  	(tag) =	ssettag $0x2  }
0x44: {  	s0 =	rddreg [dreg:$0x0];
	s2 =	stileid.u32  }
0x45: {  	s1 =	rddreg [dreg:$0x1];
	p0 =	sne.s32 s2, $0x0  }
0x46: {  	s3 =	rddreg [dreg:$0x2];
	[bflag:$0x3] =	sbarrier.arrive $0xFFFF;
	s2 =	simm.s32 @!p0 $0x1C01  }
0x47: {  	[timem:s3], [sflag:s2] =	dma.local @!p0 [hbm:s0], s1  }
0x48: {  	s0 =	simm.s32 @!p0 $0x1  }
0x49: {  	_ =	swait.ge @!p0 [sflag:s0], s1  }
0x4a: {  	s1 =	ssub.s32 @!p0 $0x0, s1;
	[sflag:s0] =	ssyncset.done @!p0 $0x0  }
0x4b: {  	[sflag:s0] =	ssyncadd.s32 @!p0 s1  }
0x4c: {  	[bflag:$0x3] =	sbarrier.arrive $0xFFFF  }
0x4d: {  	_ =	shalt  }

</sc_bundles>
